<compile_context>
chip_gen: v7x
topology: tpu7x:2x2x1
jax: 0.10.2.dev20260603
libtpu: 0.0.44.dev20260713+nightly
codegen_flags: <defaults>
</compile_context>

<pallas_src>
import functools

import jax
import jax.numpy as jnp
from jax import lax
from jax.experimental import pallas as pl
from jax.experimental.pallas import tpu as pltpu
from jax.experimental.pallas import tpu_sc as plsc

D = 128
LANES = 16
NJ = D // LANES
CHUNK = 100
B, L = 1024, 200
NROWS = B * L // CHUNK
NC, NS = 2, 16
NW = NC * NS
NPW = NROWS // NW
PER_SEQ = L // CHUNK


def _lane_bcast_sum(x):
    idx0 = lax.iota(jnp.int32, LANES)
    dnums = lax.GatherDimensionNumbers(
        offset_dims=(), collapsed_slice_dims=(0,), start_index_map=(0,))
    for s in (8, 4, 2, 1):
        idx = lax.bitwise_and(idx0 + s, LANES - 1)
        x = x + lax.gather(x, idx[:, None], dnums, slice_sizes=(1,),
                           mode=lax.GatherScatterMode.PROMISE_IN_BOUNDS)
    return x


def _sc_body(ids_hbm, table_hbm, pos_hbm, gamma_hbm, beta_hbm, out_hbm,
             idx_v, rows_v, pos_v, g_v, b_v, sem):
    wid = lax.axis_index("c") * NS + lax.axis_index("s")

    pltpu.sync_copy(pos_hbm.at[pl.ds(0, L)], pos_v)
    pltpu.sync_copy(gamma_hbm, g_v)
    pltpu.sync_copy(beta_hbm, b_v)

    def chunk_body(g, carry):
        r = wid * NPW + g
        pltpu.sync_copy(ids_hbm.at[r], idx_v)
        pltpu.async_copy(table_hbm.at[idx_v], rows_v, sem).wait()
        pbase = lax.rem(r, PER_SEQ) * CHUNK

        def row_body(i, c2):
            x = [rows_v[i, pl.ds(LANES * j, LANES)] +
                 pos_v[pbase + i, pl.ds(LANES * j, LANES)] for j in range(NJ)]
            acc = x[0]
            for j in range(1, NJ):
                acc = acc + x[j]
            mv = _lane_bcast_sum(acc) * (1.0 / D)
            c = [xj - mv for xj in x]
            acc2 = c[0] * c[0]
            for j in range(1, NJ):
                acc2 = acc2 + c[j] * c[j]
            vv = _lane_bcast_sum(acc2) * (1.0 / D) + 1e-12
            iv = lax.bitcast_convert_type(vv, jnp.int32)
            iv = jnp.int32(0x5F3759DF) - lax.shift_right_logical(iv, 1)
            y = lax.bitcast_convert_type(iv, jnp.float32)
            for _ in range(3):
                y = y * (1.5 - 0.5 * vv * y * y)
            for j in range(NJ):
                rows_v[i, pl.ds(LANES * j, LANES)] = (
                    c[j] * y * g_v[pl.ds(LANES * j, LANES)]
                    + b_v[pl.ds(LANES * j, LANES)])
            return c2

        lax.fori_loop(0, CHUNK, row_body, 0)
        pltpu.sync_copy(rows_v, out_hbm.at[r])
        return carry

    lax.fori_loop(0, NPW, chunk_body, 0)


@jax.jit
def _run(ids2, reg_table, pos_table, gamma, beta):
    call = functools.partial(
        pl.kernel,
        mesh=plsc.VectorSubcoreMesh(core_axis_name="c", subcore_axis_name="s"),
        out_type=jax.ShapeDtypeStruct((NROWS, CHUNK, D), jnp.float32),
        scratch_types=[
            pltpu.VMEM((CHUNK,), jnp.int32),
            pltpu.VMEM((CHUNK, D), jnp.float32),
            pltpu.VMEM((L, D), jnp.float32),
            pltpu.VMEM((D,), jnp.float32),
            pltpu.VMEM((D,), jnp.float32),
            pltpu.SemaphoreType.DMA,
        ],
    )(_sc_body)
    return call(ids2, reg_table, pos_table, gamma, beta)


def kernel(input_ids, reg_table, pos_table, gamma, beta):
    ids2 = input_ids.astype(jnp.int32).reshape(NROWS, CHUNK)
    out = _run(ids2, reg_table, pos_table, gamma, beta)
    return out.reshape(B, L, D)

# --- scband reference (transcript-rebuilt; emitter-appended) ---
"""Pipeline reference for scband-embeddings-62423054680217 (READ-ONLY COPY).

The authoritative reference and input builder live on the scoring server;
editing this copy changes nothing except your own understanding.
"""

import jax, jax.numpy as jnp
import numpy as np

VOCAB = 100000
MAX_POS = 512
DIM = 128
B = 1024
L = 200


def setup_inputs(seed: int = 0) -> dict:
    key = jax.random.key(seed)
    k1, k2, k3 = jax.random.split(key, 3)
    input_ids = jax.random.randint(k1, (B, L), 0, VOCAB, dtype=jnp.int64 if jax.config.jax_enable_x64 else jnp.int32)
    reg_table = jax.random.normal(k2, (VOCAB, DIM), dtype=jnp.float32) * 0.02
    pos_table = jax.random.normal(k3, (MAX_POS, DIM), dtype=jnp.float32) * 0.02
    gamma = jnp.ones((DIM,), dtype=jnp.float32)
    beta = jnp.zeros((DIM,), dtype=jnp.float32)
    return {"input_ids": input_ids, "reg_table": reg_table, "pos_table": pos_table, "gamma": gamma, "beta": beta}


def reference(input_ids, reg_table, pos_table, gamma, beta):
    # regular embedding lookup: gather rows from table
    reg_emb = jnp.take(reg_table, input_ids, axis=0)  # [B, L, D]
    # positional embedding: positions 0..L-1, broadcast over batch
    positions = jnp.arange(input_ids.shape[1])[None, :]  # [1, L]
    pos_emb = jnp.take(pos_table, positions, axis=0)  # [1, L, D]
    embs = reg_emb + pos_emb
    # LayerNorm with eps=1e-12 over last dim
    mean = jnp.mean(embs, axis=-1, keepdims=True)
    var = jnp.mean(jnp.square(embs - mean), axis=-1, keepdims=True)
    embs = (embs - mean) / jnp.sqrt(var + 1e-12) * gamma + beta
    # NOTE: original torch code computes `embs + self.dropout(embs)` but discards
    # the result; the returned value is the layer-normed embs. Faithful here.
    return embs

if __name__ == "__main__":
    import jax
    _d = setup_inputs()
    print(jax.jit(kernel)(*tuple(_d.values())))

</pallas_src>

<mosaic_0001>
#map = affine_map<(d0, d1) -> (0, 0)>
#map1 = affine_map<(d0, d1) -> (0)>
#map2 = affine_map<(d0, d1) -> (0, 0, 0)>
module attributes {stable_mosaic.version = 14 : i64} {
  func.func @_sc_body(%arg0: i32, %arg1: i32, %arg2: memref<2048x100xi32, #tpu.memory_space<hbm>>, %arg3: memref<100000x128xf32, #tpu.memory_space<hbm>>, %arg4: memref<512x128xf32, #tpu.memory_space<hbm>>, %arg5: memref<128xf32, #tpu.memory_space<hbm>>, %arg6: memref<128xf32, #tpu.memory_space<hbm>>, %arg7: memref<2048x100x128xf32, #tpu.memory_space<hbm>>, %arg8: memref<100xi32, #tpu.memory_space<vmem>>, %arg9: memref<100x128xf32, #tpu.memory_space<vmem>>, %arg10: memref<200x128xf32, #tpu.memory_space<vmem>>, %arg11: memref<128xf32, #tpu.memory_space<vmem>>, %arg12: memref<128xf32, #tpu.memory_space<vmem>>, %arg13: memref<!tpu.dma_semaphore, #tpu.memory_space<semaphore_mem>>) attributes {dimension_semantics = [#tpu.dimension_semantics<core_parallel>, #tpu.dimension_semantics<subcore_parallel>], iteration_bounds = array<i64: 2, 16>, scalar_prefetch = 0 : i64, scratch_operands = 6 : i64, tpu.core_type = #tpu.core_type<sc_vector_subcore>, window_params = [{transform_indices = #map}, {transform_indices = #map}, {transform_indices = #map}, {transform_indices = #map1}, {transform_indices = #map1}, {transform_indices = #map2}]} {
    %mul3A = arith.constant 16 : i32
    %mul3A_0 = arith.muli %arg0, %mul3A : i32
    %add3A = arith.addi %mul3A_0, %arg1 : i32
    "tpu.region"() ({
      %run_scoped3A = tpu.sem_alloc : memref<!tpu.dma_semaphore, #tpu.memory_space<semaphore_mem>>
      %dma_start3A = arith.constant 0 : i32
      %dma_start3A_6 = arith.constant 0 : i32
      %dma_start3A_7 = tpu.memref_slice %arg4[%dma_start3A, %dma_start3A_6] : memref<512x128xf32, #tpu.memory_space<hbm>> -> memref<200x128xf32, #tpu.memory_space<hbm>>
      %dma_start3A_8 = arith.constant 0 : i32
      %dma_start3A_9 = arith.constant 0 : i32
      %dma_start3A_10 = tpu.memref_slice %arg4[%dma_start3A_8, %dma_start3A_9] : memref<512x128xf32, #tpu.memory_space<hbm>> -> memref<200x128xf32, #tpu.memory_space<hbm>>
      tpu.enqueue_dma source(%dma_start3A_10 : memref<200x128xf32, #tpu.memory_space<hbm>>) target(%arg10 : memref<200x128xf32, #tpu.memory_space<vmem>>) target_semaphore(%run_scoped3A : memref<!tpu.dma_semaphore, #tpu.memory_space<semaphore_mem>>)
      %dma_wait3A = arith.constant 0 : i32
      %dma_wait3A_11 = arith.constant 0 : i32
      %dma_wait3A_12 = tpu.memref_slice %arg4[%dma_wait3A, %dma_wait3A_11] : memref<512x128xf32, #tpu.memory_space<hbm>> -> memref<200x128xf32, #tpu.memory_space<hbm>>
      %dma_wait3A_13 = arith.constant 0 : i32
      %dma_wait3A_14 = arith.constant 0 : i32
      %dma_wait3A_15 = tpu.memref_slice %arg4[%dma_wait3A_13, %dma_wait3A_14] : memref<512x128xf32, #tpu.memory_space<hbm>> -> memref<200x128xf32, #tpu.memory_space<hbm>>
      tpu.wait_dma2 semaphore(%run_scoped3A : memref<!tpu.dma_semaphore, #tpu.memory_space<semaphore_mem>>) src(%dma_wait3A_15 : memref<200x128xf32, #tpu.memory_space<hbm>>) dst(%arg10 : memref<200x128xf32, #tpu.memory_space<vmem>>)
      tpu.yield
    }) : () -> ()
    "tpu.region"() ({
      %run_scoped3A = tpu.sem_alloc : memref<!tpu.dma_semaphore, #tpu.memory_space<semaphore_mem>>
      tpu.enqueue_dma source(%arg5 : memref<128xf32, #tpu.memory_space<hbm>>) target(%arg11 : memref<128xf32, #tpu.memory_space<vmem>>) target_semaphore(%run_scoped3A : memref<!tpu.dma_semaphore, #tpu.memory_space<semaphore_mem>>)
      tpu.wait_dma2 semaphore(%run_scoped3A : memref<!tpu.dma_semaphore, #tpu.memory_space<semaphore_mem>>) src(%arg5 : memref<128xf32, #tpu.memory_space<hbm>>) dst(%arg11 : memref<128xf32, #tpu.memory_space<vmem>>)
      tpu.yield
    }) : () -> ()
    "tpu.region"() ({
      %run_scoped3A = tpu.sem_alloc : memref<!tpu.dma_semaphore, #tpu.memory_space<semaphore_mem>>
      tpu.enqueue_dma source(%arg6 : memref<128xf32, #tpu.memory_space<hbm>>) target(%arg12 : memref<128xf32, #tpu.memory_space<vmem>>) target_semaphore(%run_scoped3A : memref<!tpu.dma_semaphore, #tpu.memory_space<semaphore_mem>>)
      tpu.wait_dma2 semaphore(%run_scoped3A : memref<!tpu.dma_semaphore, #tpu.memory_space<semaphore_mem>>) src(%arg6 : memref<128xf32, #tpu.memory_space<hbm>>) dst(%arg12 : memref<128xf32, #tpu.memory_space<vmem>>)
      tpu.yield
    }) : () -> ()
    %scan3A = arith.constant 0 : i32
    %scan3A_1 = arith.constant 0 : i32
    %scan3A_2 = arith.constant 64 : i32
    %scan3A_3 = arith.addi %scan3A_1, %scan3A_2 : i32
    %scan3A_4 = arith.constant 1 : i32
    scf.for %scan3A_6 = %scan3A_1 to %scan3A_3 step %scan3A_4  : i32 {
      %mul3A_7 = arith.constant 64 : i32
      %mul3A_8 = arith.muli %add3A, %mul3A_7 : i32
      %add3A_9 = arith.addi %mul3A_8, %scan3A_6 : i32
      "tpu.region"() ({
        %run_scoped3A = tpu.sem_alloc : memref<!tpu.dma_semaphore, #tpu.memory_space<semaphore_mem>>
        %dma_start3A_23 = arith.constant 0 : i32
        %dma_start3A_24 = tpu.memref_slice %arg2[%add3A_9, %dma_start3A_23] : memref<2048x100xi32, #tpu.memory_space<hbm>> -> memref<1x100xi32, #tpu.memory_space<hbm>>
        %dma_start3A_25 = tpu.memref_squeeze %dma_start3A_24 : memref<1x100xi32, #tpu.memory_space<hbm>> -> memref<100xi32, #tpu.memory_space<hbm>>
        %dma_start3A_26 = arith.constant 0 : i32
        %dma_start3A_27 = tpu.memref_slice %arg2[%add3A_9, %dma_start3A_26] : memref<2048x100xi32, #tpu.memory_space<hbm>> -> memref<1x100xi32, #tpu.memory_space<hbm>>
        %dma_start3A_28 = tpu.memref_squeeze %dma_start3A_27 : memref<1x100xi32, #tpu.memory_space<hbm>> -> memref<100xi32, #tpu.memory_space<hbm>>
        tpu.enqueue_dma source(%dma_start3A_28 : memref<100xi32, #tpu.memory_space<hbm>>) target(%arg8 : memref<100xi32, #tpu.memory_space<vmem>>) target_semaphore(%run_scoped3A : memref<!tpu.dma_semaphore, #tpu.memory_space<semaphore_mem>>)
        %dma_wait3A_29 = arith.constant 0 : i32
        %dma_wait3A_30 = tpu.memref_slice %arg2[%add3A_9, %dma_wait3A_29] : memref<2048x100xi32, #tpu.memory_space<hbm>> -> memref<1x100xi32, #tpu.memory_space<hbm>>
        %dma_wait3A_31 = tpu.memref_squeeze %dma_wait3A_30 : memref<1x100xi32, #tpu.memory_space<hbm>> -> memref<100xi32, #tpu.memory_space<hbm>>
        %dma_wait3A_32 = arith.constant 0 : i32
        %dma_wait3A_33 = tpu.memref_slice %arg2[%add3A_9, %dma_wait3A_32] : memref<2048x100xi32, #tpu.memory_space<hbm>> -> memref<1x100xi32, #tpu.memory_space<hbm>>
        %dma_wait3A_34 = tpu.memref_squeeze %dma_wait3A_33 : memref<1x100xi32, #tpu.memory_space<hbm>> -> memref<100xi32, #tpu.memory_space<hbm>>
        tpu.wait_dma2 semaphore(%run_scoped3A : memref<!tpu.dma_semaphore, #tpu.memory_space<semaphore_mem>>) src(%dma_wait3A_34 : memref<100xi32, #tpu.memory_space<hbm>>) dst(%arg8 : memref<100xi32, #tpu.memory_space<vmem>>)
        tpu.yield
      }) : () -> ()
      %dma_start3A = arith.constant 0 : i32
      %dma_start3A_10 = arith.constant 0 : i32
      %dma_start3A_11 = tpu.memref_slice %arg3[%dma_start3A, %dma_start3A_10] : memref<100000x128xf32, #tpu.memory_space<hbm>> -> memref<100000x128xf32, #tpu.memory_space<hbm>>
      tpu.enqueue_indirect_dma source(%dma_start3A_11 : memref<100000x128xf32, #tpu.memory_space<hbm>>) target(%arg9 : memref<100x128xf32, #tpu.memory_space<vmem>>) offsets(%arg8 : memref<100xi32, #tpu.memory_space<vmem>>) semaphore(%arg13 : memref<!tpu.dma_semaphore, #tpu.memory_space<semaphore_mem>>)
      %dma_wait3A = arith.constant 0 : i32
      %dma_wait3A_12 = arith.constant 0 : i32
      %dma_wait3A_13 = tpu.memref_slice %arg3[%dma_wait3A, %dma_wait3A_12] : memref<100000x128xf32, #tpu.memory_space<hbm>> -> memref<100000x128xf32, #tpu.memory_space<hbm>>
      tpu.wait_indirect_dma semaphore(%arg13 : memref<!tpu.dma_semaphore, #tpu.memory_space<semaphore_mem>>) src(%dma_wait3A_13 : memref<100000x128xf32, #tpu.memory_space<hbm>>) dst(%arg9 : memref<100x128xf32, #tpu.memory_space<vmem>>)
      %rem3A = arith.constant 2 : i32
      %rem3A_14 = arith.remsi %add3A_9, %rem3A : i32
      %mul3A_15 = arith.constant 100 : i32
      %mul3A_16 = arith.muli %rem3A_14, %mul3A_15 : i32
      %scan3A_17 = arith.constant 0 : i32
      %scan3A_18 = arith.constant 0 : i32
      %scan3A_19 = arith.constant 100 : i32
      %scan3A_20 = arith.addi %scan3A_18, %scan3A_19 : i32
      %scan3A_21 = arith.constant 1 : i32
      scf.for %scan3A_23 = %scan3A_18 to %scan3A_20 step %scan3A_21  : i32 {
        %get3A = arith.index_cast %scan3A_23 : i32 to index
        %get3A_24 = arith.constant 0 : index
        %get3A_25 = tpu.vector_load %arg9[%get3A, %get3A_24] {strides = array<i32>} : memref<100x128xf32, #tpu.memory_space<vmem>>, vector<1x16xf32>,
        %get3A_26 = vector.shape_cast %get3A_25 : vector<1x16xf32> to vector<16xf32>
        %add3A_27 = arith.addi %mul3A_16, %scan3A_23 : i32
        %get3A_28 = arith.index_cast %add3A_27 : i32 to index
        %get3A_29 = arith.constant 0 : index
        %get3A_30 = tpu.vector_load %arg10[%get3A_28, %get3A_29] {strides = array<i32>} : memref<200x128xf32, #tpu.memory_space<vmem>>, vector<1x16xf32>,
        %get3A_31 = vector.shape_cast %get3A_30 : vector<1x16xf32> to vector<16xf32>
        %add3A_32 = arith.addf %get3A_26, %get3A_31 : vector<16xf32>
        %get3A_33 = arith.index_cast %scan3A_23 : i32 to index
        %get3A_34 = arith.constant 16 : index
        %get3A_35 = tpu.vector_load %arg9[%get3A_33, %get3A_34] {strides = array<i32>} : memref<100x128xf32, #tpu.memory_space<vmem>>, vector<1x16xf32>,
        %get3A_36 = vector.shape_cast %get3A_35 : vector<1x16xf32> to vector<16xf32>
        %add3A_37 = arith.addi %mul3A_16, %scan3A_23 : i32
        %get3A_38 = arith.index_cast %add3A_37 : i32 to index
        %get3A_39 = arith.constant 16 : index
        %get3A_40 = tpu.vector_load %arg10[%get3A_38, %get3A_39] {strides = array<i32>} : memref<200x128xf32, #tpu.memory_space<vmem>>, vector<1x16xf32>,
        %get3A_41 = vector.shape_cast %get3A_40 : vector<1x16xf32> to vector<16xf32>
        %add3A_42 = arith.addf %get3A_36, %get3A_41 : vector<16xf32>
        %get3A_43 = arith.index_cast %scan3A_23 : i32 to index
        %get3A_44 = arith.constant 32 : index
        %get3A_45 = tpu.vector_load %arg9[%get3A_43, %get3A_44] {strides = array<i32>} : memref<100x128xf32, #tpu.memory_space<vmem>>, vector<1x16xf32>,
        %get3A_46 = vector.shape_cast %get3A_45 : vector<1x16xf32> to vector<16xf32>
        %add3A_47 = arith.addi %mul3A_16, %scan3A_23 : i32
        %get3A_48 = arith.index_cast %add3A_47 : i32 to index
        %get3A_49 = arith.constant 32 : index
        %get3A_50 = tpu.vector_load %arg10[%get3A_48, %get3A_49] {strides = array<i32>} : memref<200x128xf32, #tpu.memory_space<vmem>>, vector<1x16xf32>,
        %get3A_51 = vector.shape_cast %get3A_50 : vector<1x16xf32> to vector<16xf32>
        %add3A_52 = arith.addf %get3A_46, %get3A_51 : vector<16xf32>
        %get3A_53 = arith.index_cast %scan3A_23 : i32 to index
        %get3A_54 = arith.constant 48 : index
        %get3A_55 = tpu.vector_load %arg9[%get3A_53, %get3A_54] {strides = array<i32>} : memref<100x128xf32, #tpu.memory_space<vmem>>, vector<1x16xf32>,
        %get3A_56 = vector.shape_cast %get3A_55 : vector<1x16xf32> to vector<16xf32>
        %add3A_57 = arith.addi %mul3A_16, %scan3A_23 : i32
        %get3A_58 = arith.index_cast %add3A_57 : i32 to index
        %get3A_59 = arith.constant 48 : index
        %get3A_60 = tpu.vector_load %arg10[%get3A_58, %get3A_59] {strides = array<i32>} : memref<200x128xf32, #tpu.memory_space<vmem>>, vector<1x16xf32>,
        %get3A_61 = vector.shape_cast %get3A_60 : vector<1x16xf32> to vector<16xf32>
        %add3A_62 = arith.addf %get3A_56, %get3A_61 : vector<16xf32>
        %get3A_63 = arith.index_cast %scan3A_23 : i32 to index
        %get3A_64 = arith.constant 64 : index
        %get3A_65 = tpu.vector_load %arg9[%get3A_63, %get3A_64] {strides = array<i32>} : memref<100x128xf32, #tpu.memory_space<vmem>>, vector<1x16xf32>,
        %get3A_66 = vector.shape_cast %get3A_65 : vector<1x16xf32> to vector<16xf32>
        %add3A_67 = arith.addi %mul3A_16, %scan3A_23 : i32
        %get3A_68 = arith.index_cast %add3A_67 : i32 to index
        %get3A_69 = arith.constant 64 : index
        %get3A_70 = tpu.vector_load %arg10[%get3A_68, %get3A_69] {strides = array<i32>} : memref<200x128xf32, #tpu.memory_space<vmem>>, vector<1x16xf32>,
        %get3A_71 = vector.shape_cast %get3A_70 : vector<1x16xf32> to vector<16xf32>
        %add3A_72 = arith.addf %get3A_66, %get3A_71 : vector<16xf32>
        %get3A_73 = arith.index_cast %scan3A_23 : i32 to index
        %get3A_74 = arith.constant 80 : index
        %get3A_75 = tpu.vector_load %arg9[%get3A_73, %get3A_74] {strides = array<i32>} : memref<100x128xf32, #tpu.memory_space<vmem>>, vector<1x16xf32>,
        %get3A_76 = vector.shape_cast %get3A_75 : vector<1x16xf32> to vector<16xf32>
        %add3A_77 = arith.addi %mul3A_16, %scan3A_23 : i32
        %get3A_78 = arith.index_cast %add3A_77 : i32 to index
        %get3A_79 = arith.constant 80 : index
        %get3A_80 = tpu.vector_load %arg10[%get3A_78, %get3A_79] {strides = array<i32>} : memref<200x128xf32, #tpu.memory_space<vmem>>, vector<1x16xf32>,
        %get3A_81 = vector.shape_cast %get3A_80 : vector<1x16xf32> to vector<16xf32>
        %add3A_82 = arith.addf %get3A_76, %get3A_81 : vector<16xf32>
        %get3A_83 = arith.index_cast %scan3A_23 : i32 to index
        %get3A_84 = arith.constant 96 : index
        %get3A_85 = tpu.vector_load %arg9[%get3A_83, %get3A_84] {strides = array<i32>} : memref<100x128xf32, #tpu.memory_space<vmem>>, vector<1x16xf32>,
        %get3A_86 = vector.shape_cast %get3A_85 : vector<1x16xf32> to vector<16xf32>
        %add3A_87 = arith.addi %mul3A_16, %scan3A_23 : i32
        %get3A_88 = arith.index_cast %add3A_87 : i32 to index
        %get3A_89 = arith.constant 96 : index
        %get3A_90 = tpu.vector_load %arg10[%get3A_88, %get3A_89] {strides = array<i32>} : memref<200x128xf32, #tpu.memory_space<vmem>>, vector<1x16xf32>,
        %get3A_91 = vector.shape_cast %get3A_90 : vector<1x16xf32> to vector<16xf32>
        %add3A_92 = arith.addf %get3A_86, %get3A_91 : vector<16xf32>
        %get3A_93 = arith.index_cast %scan3A_23 : i32 to index
        %get3A_94 = arith.constant 112 : index
        %get3A_95 = tpu.vector_load %arg9[%get3A_93, %get3A_94] {strides = array<i32>} : memref<100x128xf32, #tpu.memory_space<vmem>>, vector<1x16xf32>,
        %get3A_96 = vector.shape_cast %get3A_95 : vector<1x16xf32> to vector<16xf32>
        %add3A_97 = arith.addi %mul3A_16, %scan3A_23 : i32
        %get3A_98 = arith.index_cast %add3A_97 : i32 to index
        %get3A_99 = arith.constant 112 : index
        %get3A_100 = tpu.vector_load %arg10[%get3A_98, %get3A_99] {strides = array<i32>} : memref<200x128xf32, #tpu.memory_space<vmem>>, vector<1x16xf32>,
        %get3A_101 = vector.shape_cast %get3A_100 : vector<1x16xf32> to vector<16xf32>
        %add3A_102 = arith.addf %get3A_96, %get3A_101 : vector<16xf32>
        %add3A_103 = arith.addf %add3A_32, %add3A_42 : vector<16xf32>
        %add3A_104 = arith.addf %add3A_103, %add3A_52 : vector<16xf32>
        %add3A_105 = arith.addf %add3A_104, %add3A_62 : vector<16xf32>
        %add3A_106 = arith.addf %add3A_105, %add3A_72 : vector<16xf32>
        %add3A_107 = arith.addf %add3A_106, %add3A_82 : vector<16xf32>
        %add3A_108 = arith.addf %add3A_107, %add3A_92 : vector<16xf32>
        %add3A_109 = arith.addf %add3A_108, %add3A_102 : vector<16xf32>
        %iota3A = tpu.iota {dimensions = array<i32: 0>} : vector<16xi32>
        %add3A_110 = arith.constant 8 : i32
        %add3A_111 = vector.broadcast %add3A_110 : i32 to vector<16xi32>
        %add3A_112 = arith.addi %iota3A, %add3A_111 : vector<16xi32>
        %and3A = arith.constant 15 : i32
        %and3A_113 = vector.broadcast %and3A : i32 to vector<16xi32>
        %and3A_114 = arith.andi %add3A_112, %and3A_113 : vector<16xi32>
        %broadcast_in_dim3A = vector.shape_cast %and3A_114 : vector<16xi32> to vector<16x1xi32>
        %gather3A = vector.shape_cast %broadcast_in_dim3A : vector<16x1xi32> to vector<16xi32>
        %gather3A_115 = tpu.dynamic_gather %add3A_109[%gather3A] in [0] : vector<16xf32>, vector<16xi32> -> vector<16xf32>
        %add3A_116 = arith.addf %add3A_109, %gather3A_115 : vector<16xf32>
        %add3A_117 = arith.constant 4 : i32
        %add3A_118 = vector.broadcast %add3A_117 : i32 to vector<16xi32>
        %add3A_119 = arith.addi %iota3A, %add3A_118 : vector<16xi32>
        %and3A_120 = arith.constant 15 : i32
        %and3A_121 = vector.broadcast %and3A_120 : i32 to vector<16xi32>
        %and3A_122 = arith.andi %add3A_119, %and3A_121 : vector<16xi32>
        %broadcast_in_dim3A_123 = vector.shape_cast %and3A_122 : vector<16xi32> to vector<16x1xi32>
        %gather3A_124 = vector.shape_cast %broadcast_in_dim3A_123 : vector<16x1xi32> to vector<16xi32>
        %gather3A_125 = tpu.dynamic_gather %add3A_116[%gather3A_124] in [0] : vector<16xf32>, vector<16xi32> -> vector<16xf32>
        %add3A_126 = arith.addf %add3A_116, %gather3A_125 : vector<16xf32>
        %add3A_127 = arith.constant 2 : i32
        %add3A_128 = vector.broadcast %add3A_127 : i32 to vector<16xi32>
        %add3A_129 = arith.addi %iota3A, %add3A_128 : vector<16xi32>
        %and3A_130 = arith.constant 15 : i32
        %and3A_131 = vector.broadcast %and3A_130 : i32 to vector<16xi32>
        %and3A_132 = arith.andi %add3A_129, %and3A_131 : vector<16xi32>
        %broadcast_in_dim3A_133 = vector.shape_cast %and3A_132 : vector<16xi32> to vector<16x1xi32>
        %gather3A_134 = vector.shape_cast %broadcast_in_dim3A_133 : vector<16x1xi32> to vector<16xi32>
        %gather3A_135 = tpu.dynamic_gather %add3A_126[%gather3A_134] in [0] : vector<16xf32>, vector<16xi32> -> vector<16xf32>
        %add3A_136 = arith.addf %add3A_126, %gather3A_135 : vector<16xf32>
        %add3A_137 = arith.constant 1 : i32
        %add3A_138 = vector.broadcast %add3A_137 : i32 to vector<16xi32>
        %add3A_139 = arith.addi %iota3A, %add3A_138 : vector<16xi32>
        %and3A_140 = arith.constant 15 : i32
        %and3A_141 = vector.broadcast %and3A_140 : i32 to vector<16xi32>
        %and3A_142 = arith.andi %add3A_139, %and3A_141 : vector<16xi32>
        %broadcast_in_dim3A_143 = vector.shape_cast %and3A_142 : vector<16xi32> to vector<16x1xi32>
        %gather3A_144 = vector.shape_cast %broadcast_in_dim3A_143 : vector<16x1xi32> to vector<16xi32>
        %gather3A_145 = tpu.dynamic_gather %add3A_136[%gather3A_144] in [0] : vector<16xf32>, vector<16xi32> -> vector<16xf32>
        %add3A_146 = arith.addf %add3A_136, %gather3A_145 : vector<16xf32>
        %mul3A_147 = arith.constant 7.812500e-03 : f32
        %mul3A_148 = vector.broadcast %mul3A_147 : f32 to vector<16xf32>
        %mul3A_149 = arith.mulf %add3A_146, %mul3A_148 : vector<16xf32>
        %sub3A = arith.subf %add3A_32, %mul3A_149 : vector<16xf32>
        %sub3A_150 = arith.subf %add3A_42, %mul3A_149 : vector<16xf32>
        %sub3A_151 = arith.subf %add3A_52, %mul3A_149 : vector<16xf32>
        %sub3A_152 = arith.subf %add3A_62, %mul3A_149 : vector<16xf32>
        %sub3A_153 = arith.subf %add3A_72, %mul3A_149 : vector<16xf32>
        %sub3A_154 = arith.subf %add3A_82, %mul3A_149 : vector<16xf32>
        %sub3A_155 = arith.subf %add3A_92, %mul3A_149 : vector<16xf32>
        %sub3A_156 = arith.subf %add3A_102, %mul3A_149 : vector<16xf32>
        %mul3A_157 = arith.mulf %sub3A, %sub3A : vector<16xf32>
        %mul3A_158 = arith.mulf %sub3A_150, %sub3A_150 : vector<16xf32>
        %add3A_159 = arith.addf %mul3A_157, %mul3A_158 : vector<16xf32>
        %mul3A_160 = arith.mulf %sub3A_151, %sub3A_151 : vector<16xf32>
        %add3A_161 = arith.addf %add3A_159, %mul3A_160 : vector<16xf32>
        %mul3A_162 = arith.mulf %sub3A_152, %sub3A_152 : vector<16xf32>
        %add3A_163 = arith.addf %add3A_161, %mul3A_162 : vector<16xf32>
        %mul3A_164 = arith.mulf %sub3A_153, %sub3A_153 : vector<16xf32>
        %add3A_165 = arith.addf %add3A_163, %mul3A_164 : vector<16xf32>
        %mul3A_166 = arith.mulf %sub3A_154, %sub3A_154 : vector<16xf32>
        %add3A_167 = arith.addf %add3A_165, %mul3A_166 : vector<16xf32>
        %mul3A_168 = arith.mulf %sub3A_155, %sub3A_155 : vector<16xf32>
        %add3A_169 = arith.addf %add3A_167, %mul3A_168 : vector<16xf32>
        %mul3A_170 = arith.mulf %sub3A_156, %sub3A_156 : vector<16xf32>
        %add3A_171 = arith.addf %add3A_169, %mul3A_170 : vector<16xf32>
        %iota3A_172 = tpu.iota {dimensions = array<i32: 0>} : vector<16xi32>
        %add3A_173 = arith.constant 8 : i32
        %add3A_174 = vector.broadcast %add3A_173 : i32 to vector<16xi32>
        %add3A_175 = arith.addi %iota3A_172, %add3A_174 : vector<16xi32>
        %and3A_176 = arith.constant 15 : i32
        %and3A_177 = vector.broadcast %and3A_176 : i32 to vector<16xi32>
        %and3A_178 = arith.andi %add3A_175, %and3A_177 : vector<16xi32>
        %broadcast_in_dim3A_179 = vector.shape_cast %and3A_178 : vector<16xi32> to vector<16x1xi32>
        %gather3A_180 = vector.shape_cast %broadcast_in_dim3A_179 : vector<16x1xi32> to vector<16xi32>
        %gather3A_181 = tpu.dynamic_gather %add3A_171[%gather3A_180] in [0] : vector<16xf32>, vector<16xi32> -> vector<16xf32>
        %add3A_182 = arith.addf %add3A_171, %gather3A_181 : vector<16xf32>
        %add3A_183 = arith.constant 4 : i32
        %add3A_184 = vector.broadcast %add3A_183 : i32 to vector<16xi32>
        %add3A_185 = arith.addi %iota3A_172, %add3A_184 : vector<16xi32>
        %and3A_186 = arith.constant 15 : i32
        %and3A_187 = vector.broadcast %and3A_186 : i32 to vector<16xi32>
        %and3A_188 = arith.andi %add3A_185, %and3A_187 : vector<16xi32>
        %broadcast_in_dim3A_189 = vector.shape_cast %and3A_188 : vector<16xi32> to vector<16x1xi32>
        %gather3A_190 = vector.shape_cast %broadcast_in_dim3A_189 : vector<16x1xi32> to vector<16xi32>
        %gather3A_191 = tpu.dynamic_gather %add3A_182[%gather3A_190] in [0] : vector<16xf32>, vector<16xi32> -> vector<16xf32>
        %add3A_192 = arith.addf %add3A_182, %gather3A_191 : vector<16xf32>
        %add3A_193 = arith.constant 2 : i32
        %add3A_194 = vector.broadcast %add3A_193 : i32 to vector<16xi32>
        %add3A_195 = arith.addi %iota3A_172, %add3A_194 : vector<16xi32>
        %and3A_196 = arith.constant 15 : i32
        %and3A_197 = vector.broadcast %and3A_196 : i32 to vector<16xi32>
        %and3A_198 = arith.andi %add3A_195, %and3A_197 : vector<16xi32>
        %broadcast_in_dim3A_199 = vector.shape_cast %and3A_198 : vector<16xi32> to vector<16x1xi32>
        %gather3A_200 = vector.shape_cast %broadcast_in_dim3A_199 : vector<16x1xi32> to vector<16xi32>
        %gather3A_201 = tpu.dynamic_gather %add3A_192[%gather3A_200] in [0] : vector<16xf32>, vector<16xi32> -> vector<16xf32>
        %add3A_202 = arith.addf %add3A_192, %gather3A_201 : vector<16xf32>
        %add3A_203 = arith.constant 1 : i32
        %add3A_204 = vector.broadcast %add3A_203 : i32 to vector<16xi32>
        %add3A_205 = arith.addi %iota3A_172, %add3A_204 : vector<16xi32>
        %and3A_206 = arith.constant 15 : i32
        %and3A_207 = vector.broadcast %and3A_206 : i32 to vector<16xi32>
        %and3A_208 = arith.andi %add3A_205, %and3A_207 : vector<16xi32>
        %broadcast_in_dim3A_209 = vector.shape_cast %and3A_208 : vector<16xi32> to vector<16x1xi32>
        %gather3A_210 = vector.shape_cast %broadcast_in_dim3A_209 : vector<16x1xi32> to vector<16xi32>
        %gather3A_211 = tpu.dynamic_gather %add3A_202[%gather3A_210] in [0] : vector<16xf32>, vector<16xi32> -> vector<16xf32>
        %add3A_212 = arith.addf %add3A_202, %gather3A_211 : vector<16xf32>
        %mul3A_213 = arith.constant 7.812500e-03 : f32
        %mul3A_214 = vector.broadcast %mul3A_213 : f32 to vector<16xf32>
        %mul3A_215 = arith.mulf %add3A_212, %mul3A_214 : vector<16xf32>
        %add3A_216 = arith.constant 9.99999996E-13 : f32
        %add3A_217 = vector.broadcast %add3A_216 : f32 to vector<16xf32>
        %add3A_218 = arith.addf %mul3A_215, %add3A_217 : vector<16xf32>
        %bitcast_convert_type3A = tpu.bitcast %add3A_218 : vector<16xf32> -> vector<16xi32>
        %shift_right_logical3A = arith.constant 1 : i32
        %shift_right_logical3A_219 = vector.broadcast %shift_right_logical3A : i32 to vector<16xi32>
        %shift_right_logical3A_220 = arith.shrui %bitcast_convert_type3A, %shift_right_logical3A_219 : vector<16xi32>
        %sub3A_221 = arith.constant 1597463007 : i32
        %sub3A_222 = vector.broadcast %sub3A_221 : i32 to vector<16xi32>
        %sub3A_223 = arith.subi %sub3A_222, %shift_right_logical3A_220 : vector<16xi32>
        %bitcast_convert_type3A_224 = tpu.bitcast %sub3A_223 : vector<16xi32> -> vector<16xf32>
        %mul3A_225 = arith.constant 5.000000e-01 : f32
        %mul3A_226 = vector.broadcast %mul3A_225 : f32 to vector<16xf32>
        %mul3A_227 = arith.mulf %mul3A_226, %add3A_218 : vector<16xf32>
        %mul3A_228 = arith.mulf %mul3A_227, %bitcast_convert_type3A_224 : vector<16xf32>
        %mul3A_229 = arith.mulf %mul3A_228, %bitcast_convert_type3A_224 : vector<16xf32>
        %sub3A_230 = arith.constant 1.500000e+00 : f32
        %sub3A_231 = vector.broadcast %sub3A_230 : f32 to vector<16xf32>
        %sub3A_232 = arith.subf %sub3A_231, %mul3A_229 : vector<16xf32>
        %mul3A_233 = arith.mulf %bitcast_convert_type3A_224, %sub3A_232 : vector<16xf32>
        %mul3A_234 = arith.constant 5.000000e-01 : f32
        %mul3A_235 = vector.broadcast %mul3A_234 : f32 to vector<16xf32>
        %mul3A_236 = arith.mulf %mul3A_235, %add3A_218 : vector<16xf32>
        %mul3A_237 = arith.mulf %mul3A_236, %mul3A_233 : vector<16xf32>
        %mul3A_238 = arith.mulf %mul3A_237, %mul3A_233 : vector<16xf32>
        %sub3A_239 = arith.constant 1.500000e+00 : f32
        %sub3A_240 = vector.broadcast %sub3A_239 : f32 to vector<16xf32>
        %sub3A_241 = arith.subf %sub3A_240, %mul3A_238 : vector<16xf32>
        %mul3A_242 = arith.mulf %mul3A_233, %sub3A_241 : vector<16xf32>
        %mul3A_243 = arith.constant 5.000000e-01 : f32
        %mul3A_244 = vector.broadcast %mul3A_243 : f32 to vector<16xf32>
        %mul3A_245 = arith.mulf %mul3A_244, %add3A_218 : vector<16xf32>
        %mul3A_246 = arith.mulf %mul3A_245, %mul3A_242 : vector<16xf32>
        %mul3A_247 = arith.mulf %mul3A_246, %mul3A_242 : vector<16xf32>
        %sub3A_248 = arith.constant 1.500000e+00 : f32
        %sub3A_249 = vector.broadcast %sub3A_248 : f32 to vector<16xf32>
        %sub3A_250 = arith.subf %sub3A_249, %mul3A_247 : vector<16xf32>
        %mul3A_251 = arith.mulf %mul3A_242, %sub3A_250 : vector<16xf32>
        %mul3A_252 = arith.mulf %sub3A, %mul3A_251 : vector<16xf32>
        %get3A_253 = arith.constant 0 : index
        %get3A_254 = tpu.vector_load %arg11[%get3A_253] {strides = array<i32>} : memref<128xf32, #tpu.memory_space<vmem>>, vector<16xf32>,
        %get3A_255 = vector.shape_cast %get3A_254 : vector<16xf32> to vector<16xf32>
        %mul3A_256 = arith.mulf %mul3A_252, %get3A_255 : vector<16xf32>
        %get3A_257 = arith.constant 0 : index
        %get3A_258 = tpu.vector_load %arg12[%get3A_257] {strides = array<i32>} : memref<128xf32, #tpu.memory_space<vmem>>, vector<16xf32>,
        %get3A_259 = vector.shape_cast %get3A_258 : vector<16xf32> to vector<16xf32>
        %add3A_260 = arith.addf %mul3A_256, %get3A_259 : vector<16xf32>
        %swap3A = arith.index_cast %scan3A_23 : i32 to index
        %swap3A_261 = arith.constant 0 : index
        %swap3A_262 = tpu.vector_load %arg9[%swap3A, %swap3A_261] {strides = array<i32>} : memref<100x128xf32, #tpu.memory_space<vmem>>, vector<1x16xf32>,
        %swap3A_263 = vector.shape_cast %swap3A_262 : vector<1x16xf32> to vector<16xf32>
        %swap3A_264 = vector.shape_cast %add3A_260 : vector<16xf32> to vector<1x16xf32>
        tpu.vector_store %arg9[%swap3A, %swap3A_261], %swap3A_264 {strides = array<i32>} : memref<100x128xf32, #tpu.memory_space<vmem>>, vector<1x16xf32>,
        %mul3A_265 = arith.mulf %sub3A_150, %mul3A_251 : vector<16xf32>
        %get3A_266 = arith.constant 16 : index
        %get3A_267 = tpu.vector_load %arg11[%get3A_266] {strides = array<i32>} : memref<128xf32, #tpu.memory_space<vmem>>, vector<16xf32>,
        %get3A_268 = vector.shape_cast %get3A_267 : vector<16xf32> to vector<16xf32>
        %mul3A_269 = arith.mulf %mul3A_265, %get3A_268 : vector<16xf32>
        %get3A_270 = arith.constant 16 : index
        %get3A_271 = tpu.vector_load %arg12[%get3A_270] {strides = array<i32>} : memref<128xf32, #tpu.memory_space<vmem>>, vector<16xf32>,
        %get3A_272 = vector.shape_cast %get3A_271 : vector<16xf32> to vector<16xf32>
        %add3A_273 = arith.addf %mul3A_269, %get3A_272 : vector<16xf32>
        %swap3A_274 = arith.index_cast %scan3A_23 : i32 to index
        %swap3A_275 = arith.constant 16 : index
        %swap3A_276 = tpu.vector_load %arg9[%swap3A_274, %swap3A_275] {strides = array<i32>} : memref<100x128xf32, #tpu.memory_space<vmem>>, vector<1x16xf32>,
        %swap3A_277 = vector.shape_cast %swap3A_276 : vector<1x16xf32> to vector<16xf32>
        %swap3A_278 = vector.shape_cast %add3A_273 : vector<16xf32> to vector<1x16xf32>
        tpu.vector_store %arg9[%swap3A_274, %swap3A_275], %swap3A_278 {strides = array<i32>} : memref<100x128xf32, #tpu.memory_space<vmem>>, vector<1x16xf32>,
        %mul3A_279 = arith.mulf %sub3A_151, %mul3A_251 : vector<16xf32>
        %get3A_280 = arith.constant 32 : index
        %get3A_281 = tpu.vector_load %arg11[%get3A_280] {strides = array<i32>} : memref<128xf32, #tpu.memory_space<vmem>>, vector<16xf32>,
        %get3A_282 = vector.shape_cast %get3A_281 : vector<16xf32> to vector<16xf32>
        %mul3A_283 = arith.mulf %mul3A_279, %get3A_282 : vector<16xf32>
        %get3A_284 = arith.constant 32 : index
        %get3A_285 = tpu.vector_load %arg12[%get3A_284] {strides = array<i32>} : memref<128xf32, #tpu.memory_space<vmem>>, vector<16xf32>,
        %get3A_286 = vector.shape_cast %get3A_285 : vector<16xf32> to vector<16xf32>
        %add3A_287 = arith.addf %mul3A_283, %get3A_286 : vector<16xf32>
        %swap3A_288 = arith.index_cast %scan3A_23 : i32 to index
        %swap3A_289 = arith.constant 32 : index
        %swap3A_290 = tpu.vector_load %arg9[%swap3A_288, %swap3A_289] {strides = array<i32>} : memref<100x128xf32, #tpu.memory_space<vmem>>, vector<1x16xf32>,
        %swap3A_291 = vector.shape_cast %swap3A_290 : vector<1x16xf32> to vector<16xf32>
        %swap3A_292 = vector.shape_cast %add3A_287 : vector<16xf32> to vector<1x16xf32>
        tpu.vector_store %arg9[%swap3A_288, %swap3A_289], %swap3A_292 {strides = array<i32>} : memref<100x128xf32, #tpu.memory_space<vmem>>, vector<1x16xf32>,
        %mul3A_293 = arith.mulf %sub3A_152, %mul3A_251 : vector<16xf32>
        %get3A_294 = arith.constant 48 : index
        %get3A_295 = tpu.vector_load %arg11[%get3A_294] {strides = array<i32>} : memref<128xf32, #tpu.memory_space<vmem>>, vector<16xf32>,
        %get3A_296 = vector.shape_cast %get3A_295 : vector<16xf32> to vector<16xf32>
        %mul3A_297 = arith.mulf %mul3A_293, %get3A_296 : vector<16xf32>
        %get3A_298 = arith.constant 48 : index
        %get3A_299 = tpu.vector_load %arg12[%get3A_298] {strides = array<i32>} : memref<128xf32, #tpu.memory_space<vmem>>, vector<16xf32>,
        %get3A_300 = vector.shape_cast %get3A_299 : vector<16xf32> to vector<16xf32>
        %add3A_301 = arith.addf %mul3A_297, %get3A_300 : vector<16xf32>
        %swap3A_302 = arith.index_cast %scan3A_23 : i32 to index
        %swap3A_303 = arith.constant 48 : index
        %swap3A_304 = tpu.vector_load %arg9[%swap3A_302, %swap3A_303] {strides = array<i32>} : memref<100x128xf32, #tpu.memory_space<vmem>>, vector<1x16xf32>,
        %swap3A_305 = vector.shape_cast %swap3A_304 : vector<1x16xf32> to vector<16xf32>
        %swap3A_306 = vector.shape_cast %add3A_301 : vector<16xf32> to vector<1x16xf32>
        tpu.vector_store %arg9[%swap3A_302, %swap3A_303], %swap3A_306 {strides = array<i32>} : memref<100x128xf32, #tpu.memory_space<vmem>>, vector<1x16xf32>,
        %mul3A_307 = arith.mulf %sub3A_153, %mul3A_251 : vector<16xf32>
        %get3A_308 = arith.constant 64 : index
        %get3A_309 = tpu.vector_load %arg11[%get3A_308] {strides = array<i32>} : memref<128xf32, #tpu.memory_space<vmem>>, vector<16xf32>,
        %get3A_310 = vector.shape_cast %get3A_309 : vector<16xf32> to vector<16xf32>
        %mul3A_311 = arith.mulf %mul3A_307, %get3A_310 : vector<16xf32>
        %get3A_312 = arith.constant 64 : index
        %get3A_313 = tpu.vector_load %arg12[%get3A_312] {strides = array<i32>} : memref<128xf32, #tpu.memory_space<vmem>>, vector<16xf32>,
        %get3A_314 = vector.shape_cast %get3A_313 : vector<16xf32> to vector<16xf32>
        %add3A_315 = arith.addf %mul3A_311, %get3A_314 : vector<16xf32>
        %swap3A_316 = arith.index_cast %scan3A_23 : i32 to index
        %swap3A_317 = arith.constant 64 : index
        %swap3A_318 = tpu.vector_load %arg9[%swap3A_316, %swap3A_317] {strides = array<i32>} : memref<100x128xf32, #tpu.memory_space<vmem>>, vector<1x16xf32>,
        %swap3A_319 = vector.shape_cast %swap3A_318 : vector<1x16xf32> to vector<16xf32>
        %swap3A_320 = vector.shape_cast %add3A_315 : vector<16xf32> to vector<1x16xf32>
        tpu.vector_store %arg9[%swap3A_316, %swap3A_317], %swap3A_320 {strides = array<i32>} : memref<100x128xf32, #tpu.memory_space<vmem>>, vector<1x16xf32>,
        %mul3A_321 = arith.mulf %sub3A_154, %mul3A_251 : vector<16xf32>
        %get3A_322 = arith.constant 80 : index
        %get3A_323 = tpu.vector_load %arg11[%get3A_322] {strides = array<i32>} : memref<128xf32, #tpu.memory_space<vmem>>, vector<16xf32>,
        %get3A_324 = vector.shape_cast %get3A_323 : vector<16xf32> to vector<16xf32>
        %mul3A_325 = arith.mulf %mul3A_321, %get3A_324 : vector<16xf32>
        %get3A_326 = arith.constant 80 : index
        %get3A_327 = tpu.vector_load %arg12[%get3A_326] {strides = array<i32>} : memref<128xf32, #tpu.memory_space<vmem>>, vector<16xf32>,
        %get3A_328 = vector.shape_cast %get3A_327 : vector<16xf32> to vector<16xf32>
        %add3A_329 = arith.addf %mul3A_325, %get3A_328 : vector<16xf32>
        %swap3A_330 = arith.index_cast %scan3A_23 : i32 to index
        %swap3A_331 = arith.constant 80 : index
        %swap3A_332 = tpu.vector_load %arg9[%swap3A_330, %swap3A_331] {strides = array<i32>} : memref<100x128xf32, #tpu.memory_space<vmem>>, vector<1x16xf32>,
        %swap3A_333 = vector.shape_cast %swap3A_332 : vector<1x16xf32> to vector<16xf32>
        %swap3A_334 = vector.shape_cast %add3A_329 : vector<16xf32> to vector<1x16xf32>
        tpu.vector_store %arg9[%swap3A_330, %swap3A_331], %swap3A_334 {strides = array<i32>} : memref<100x128xf32, #tpu.memory_space<vmem>>, vector<1x16xf32>,
        %mul3A_335 = arith.mulf %sub3A_155, %mul3A_251 : vector<16xf32>
        %get3A_336 = arith.constant 96 : index
        %get3A_337 = tpu.vector_load %arg11[%get3A_336] {strides = array<i32>} : memref<128xf32, #tpu.memory_space<vmem>>, vector<16xf32>,
        %get3A_338 = vector.shape_cast %get3A_337 : vector<16xf32> to vector<16xf32>
        %mul3A_339 = arith.mulf %mul3A_335, %get3A_338 : vector<16xf32>
        %get3A_340 = arith.constant 96 : index
        %get3A_341 = tpu.vector_load %arg12[%get3A_340] {strides = array<i32>} : memref<128xf32, #tpu.memory_space<vmem>>, vector<16xf32>,
        %get3A_342 = vector.shape_cast %get3A_341 : vector<16xf32> to vector<16xf32>
        %add3A_343 = arith.addf %mul3A_339, %get3A_342 : vector<16xf32>
        %swap3A_344 = arith.index_cast %scan3A_23 : i32 to index
        %swap3A_345 = arith.constant 96 : index
        %swap3A_346 = tpu.vector_load %arg9[%swap3A_344, %swap3A_345] {strides = array<i32>} : memref<100x128xf32, #tpu.memory_space<vmem>>, vector<1x16xf32>,
        %swap3A_347 = vector.shape_cast %swap3A_346 : vector<1x16xf32> to vector<16xf32>
        %swap3A_348 = vector.shape_cast %add3A_343 : vector<16xf32> to vector<1x16xf32>
        tpu.vector_store %arg9[%swap3A_344, %swap3A_345], %swap3A_348 {strides = array<i32>} : memref<100x128xf32, #tpu.memory_space<vmem>>, vector<1x16xf32>,
        %mul3A_349 = arith.mulf %sub3A_156, %mul3A_251 : vector<16xf32>
        %get3A_350 = arith.constant 112 : index
        %get3A_351 = tpu.vector_load %arg11[%get3A_350] {strides = array<i32>} : memref<128xf32, #tpu.memory_space<vmem>>, vector<16xf32>,
        %get3A_352 = vector.shape_cast %get3A_351 : vector<16xf32> to vector<16xf32>
        %mul3A_353 = arith.mulf %mul3A_349, %get3A_352 : vector<16xf32>
        %get3A_354 = arith.constant 112 : index
        %get3A_355 = tpu.vector_load %arg12[%get3A_354] {strides = array<i32>} : memref<128xf32, #tpu.memory_space<vmem>>, vector<16xf32>,
        %get3A_356 = vector.shape_cast %get3A_355 : vector<16xf32> to vector<16xf32>
        %add3A_357 = arith.addf %mul3A_353, %get3A_356 : vector<16xf32>
        %swap3A_358 = arith.index_cast %scan3A_23 : i32 to index
        %swap3A_359 = arith.constant 112 : index
        %swap3A_360 = tpu.vector_load %arg9[%swap3A_358, %swap3A_359] {strides = array<i32>} : memref<100x128xf32, #tpu.memory_space<vmem>>, vector<1x16xf32>,
        %swap3A_361 = vector.shape_cast %swap3A_360 : vector<1x16xf32> to vector<16xf32>
        %swap3A_362 = vector.shape_cast %add3A_357 : vector<16xf32> to vector<1x16xf32>
        tpu.vector_store %arg9[%swap3A_358, %swap3A_359], %swap3A_362 {strides = array<i32>} : memref<100x128xf32, #tpu.memory_space<vmem>>, vector<1x16xf32>,
      }
      %scan3A_22 = arith.constant 100 : i32
      "tpu.region"() ({
        %run_scoped3A = tpu.sem_alloc : memref<!tpu.dma_semaphore, #tpu.memory_space<semaphore_mem>>
        %dma_start3A_23 = arith.constant 0 : i32
        %dma_start3A_24 = arith.constant 0 : i32
        %dma_start3A_25 = tpu.memref_slice %arg7[%add3A_9, %dma_start3A_23, %dma_start3A_24] : memref<2048x100x128xf32, #tpu.memory_space<hbm>> -> memref<1x100x128xf32, #tpu.memory_space<hbm>>
        %dma_start3A_26 = tpu.memref_squeeze %dma_start3A_25 : memref<1x100x128xf32, #tpu.memory_space<hbm>> -> memref<100x128xf32, #tpu.memory_space<hbm>>
        %dma_start3A_27 = arith.constant 0 : i32
        %dma_start3A_28 = arith.constant 0 : i32
        %dma_start3A_29 = tpu.memref_slice %arg7[%add3A_9, %dma_start3A_27, %dma_start3A_28] : memref<2048x100x128xf32, #tpu.memory_space<hbm>> -> memref<1x100x128xf32, #tpu.memory_space<hbm>>
        %dma_start3A_30 = tpu.memref_squeeze %dma_start3A_29 : memref<1x100x128xf32, #tpu.memory_space<hbm>> -> memref<100x128xf32, #tpu.memory_space<hbm>>
        tpu.enqueue_dma source(%arg9 : memref<100x128xf32, #tpu.memory_space<vmem>>) target(%dma_start3A_30 : memref<100x128xf32, #tpu.memory_space<hbm>>) target_semaphore(%run_scoped3A : memref<!tpu.dma_semaphore, #tpu.memory_space<semaphore_mem>>)
        %dma_wait3A_31 = arith.constant 0 : i32
        %dma_wait3A_32 = arith.constant 0 : i32
        %dma_wait3A_33 = tpu.memref_slice %arg7[%add3A_9, %dma_wait3A_31, %dma_wait3A_32] : memref<2048x100x128xf32, #tpu.memory_space<hbm>> -> memref<1x100x128xf32, #tpu.memory_space<hbm>>
        %dma_wait3A_34 = tpu.memref_squeeze %dma_wait3A_33 : memref<1x100x128xf32, #tpu.memory_space<hbm>> -> memref<100x128xf32, #tpu.memory_space<hbm>>
        %dma_wait3A_35 = arith.constant 0 : i32
        %dma_wait3A_36 = arith.constant 0 : i32
        %dma_wait3A_37 = tpu.memref_slice %arg7[%add3A_9, %dma_wait3A_35, %dma_wait3A_36] : memref<2048x100x128xf32, #tpu.memory_space<hbm>> -> memref<1x100x128xf32, #tpu.memory_space<hbm>>
        %dma_wait3A_38 = tpu.memref_squeeze %dma_wait3A_37 : memref<1x100x128xf32, #tpu.memory_space<hbm>> -> memref<100x128xf32, #tpu.memory_space<hbm>>
        tpu.wait_dma2 semaphore(%run_scoped3A : memref<!tpu.dma_semaphore, #tpu.memory_space<semaphore_mem>>) src(%arg9 : memref<100x128xf32, #tpu.memory_space<vmem>>) dst(%dma_wait3A_38 : memref<100x128xf32, #tpu.memory_space<hbm>>)
        tpu.yield
      }) : () -> ()
    }
    %scan3A_5 = arith.constant 64 : i32
    return
  }
}

</mosaic_0001>

<sc_bundles>
// kernel: _run.3.cloned.1.call-start
scs
__scs_entry_jumppad:
0x0: {  	(pc) =	sbr.rel $0x88, $3  }
0x1: {  	(tag) =	ssettag $0x0;
	lr =	simm.s32 $0x1  }
0x2: {  	[smem:$0x3F9C] =	sst lr;
	_ =	strace $0xD0000000  }
0x3: {  	_ = 	snop  }
0x4: {  	_ = 	snop  }
0x5: {  	_ = 	snop  }
0x6: {  	_ = 	snop  }
0x7: {  	_ = 	snop  }
__scs_overlays_trampoline_lowered:
0x8: {  	[smem:$0x3FAB] =	sst s0  }
0x9: {  	[smem:$0x3FAC] =	sst s1  }
0xa: {  	[smem:$0x3FAD] =	sst s2  }
0xb: {  	[smem:$0x3FAE] =	sst s3  }
0xc: {  	[smem:$0x3FAF] =	sst s4  }
0xd: {  	[smem:$0x3FB0] =	sst s5  }
0xe: {  	[smem:$0x3FB1] =	sst s6  }
0xf: {  	[smem:$0x3FB2] =	sst s7  }
0x10: {  	[smem:$0x3FB3] =	sst s8  }
0x11: {  	[smem:$0x3FB4] =	sst s9;
	s0 =	simm.s32 @!p0 $0x0  }
0x12: {  	s1 =	sld [smem:$0x3F9A];
	s0 =	simm.s32 @p0 $0x1  }
0x13: {  	[smem:$0x3FB5] =	sst s0;
	s0 =	simm.s32 @!p1 $0x0  }
0x14: {  	s2 =	sld [smem:$0x3F99];
	s0 =	simm.s32 @p1 $0x1  }
0x15: {  	[smem:$0x3FB6] =	sst s0;
	s0 =	simm.s32 @!p2 $0x0  }
0x16: {  	s3 =	sld [smem:$0x3FDB];
	s0 =	simm.s32 @p2 $0x1  }
0x17: {  	s4 =	simm.s32 $0x1BF5;
	[smem:$0x3FB8] =	sst s0  }
0x18: {  	s0 =	sld [smem:$0x3F9B];
	_ =	swait.ge [sflag:s4], $0x0  }
0x19: {  	s7 =	sld [smem:$0x3F9C]  }
0x1a: {  	s8 =	sadd.s32 $0xFFFFE003, lr  }
0x1b: {  	s9 =	sadd.s32 $0xFFFFFEF7, lr;
	s5 =	simm.s32 $0xFFFFFFFF;
	p2 =	slt.u32 s8, $0xFFFFF086  }
0x1c: {  	p1 =	slt.u32 s9, $0xF7A;
	s5 =	simm.s32 @!p2 $0x0  }
0x1d: {  	s5 =	simm.s32 @p1 $0x1;
	p0 =	seq.s32 s7, s2  }
0x1e: {  	s7 =	smul.u32 @!p0 $0xF7A, s2;
	p2 =	seq.s32 @!p0 s5, $0x0  }
0x1f: {  	s9 =	smul.u32 $0xF7A, s1;
	s8 =	simm.s32 @!p0 $0x1BF5;
	p2 =	por !p2, p0  }
0x20: {  	[sflag:s8] =	ssyncset.s32 @!p0 $0xFFFFF086;
	s6 =	sadd.s32 @!p0 s3, s7;
	s7 =	simm.s32 @!p0 $0x108  }
0x21: {  	s3 =	sadd.s32 s3, s9;
	s6 =	sadd.s32 @!p0 $0x88, s6;
	s7 =	simm.s32 @p2 $0x1082  }
0x22: {  	[simem:s7], [sflag:s8] =	dma.local @!p0 [hbm:s6], $0xF7A  }
0x23: {  	s9 =	sor.u32 $0xD0000000, s2;
	s6 =	simm.s32 $0x108;
	_ =	swait.ge @!p0 [sflag:s8], $0x0  }
0x24: {  	s3 =	sadd.s32 $0x88, s3;
	s6 =	simm.s32 @!p1 $0x1082;
	[sflag:s4] =	ssyncset.s32 $0xFFFFF086  }
0x25: {  	[simem:s6], [sflag:s4] =	dma.local [hbm:s3], $0xF7A  }
0x26: {  	[smem:$0x3F9C] =	sst s1;
	(tag) =	ssettag s2;
	_ =	strace s9  }
0x27: {  	s1 =	sld [smem:$0x3FAC]  }
0x28: {  	s2 =	sld [smem:$0x3FAD]  }
0x29: {  	s4 =	sld [smem:$0x3FAF]  }
0x2a: {  	p0 =	seq.s32 s5, $0x0;
	s5 =	sld [smem:$0x3FB0]  }
0x2b: {  	s6 =	sld [smem:$0x3FB1]  }
0x2c: {  	s7 =	sld [smem:$0x3FB2]  }
0x2d: {  	s3 =	simm.s32 $0x108;
	s8 =	sld [smem:$0x3FB3]  }
0x2e: {  	s3 =	simm.s32 @!p0 $0x1082;
	s9 =	sld [smem:$0x3FB4]  }
0x2f: {  	lr =	sadd.s32 s0, s3;
	s0 =	sld [smem:$0x3FAB]  }
0x30: {  	s3 =	sld [smem:$0x3FAE]  }
0x31: {  	[smem:$0x3FB7] =	sst s10  }
0x32: {  	s10 =	sld [smem:$0x3FB5];
	_ =	sdelay $0x3  }
0x33: {  	p0 =	seq.s32 s10, $0x1;
	s10 =	sld [smem:$0x3FB7];
	_ =	sdelay $0x3  }
0x34: {  	[smem:$0x3FB7] =	sst s10  }
0x35: {  	s10 =	sld [smem:$0x3FB6];
	_ =	sdelay $0x3  }
0x36: {  	p1 =	seq.s32 s10, $0x1;
	s10 =	sld [smem:$0x3FB7];
	_ =	sdelay $0x3  }
0x37: {  	[smem:$0x3FB7] =	sst s10  }
0x38: {  	s10 =	sld [smem:$0x3FB8]  }
0x39: {  	_ = 	snop;
	(pc) =	sbr.ind lr, $3  }
0x3a: {  	_ = 	snop  }
0x3b: {  	_ = 	snop  }
0x3c: {  	p2 =	seq.s32 s10, $0x1;
	s10 =	sld [smem:$0x3FB7]  }
0x3d: {  	_ =	shalt  }
0x3e: {  	_ =	shalt  }
0x3f: {  	_ =	shalt  }
0x40: {  	_ =	shalt  }
0x41: {  	_ =	shalt  }
0x42: {  	_ =	shalt  }
0x43: {  	_ =	shalt  }
0x44: {  	_ =	shalt  }
0x45: {  	_ =	shalt  }
0x46: {  	_ =	shalt  }
0x47: {  	_ =	shalt  }
0x48: {  	_ =	shalt  }
0x49: {  	_ =	shalt  }
0x4a: {  	_ =	shalt  }
0x4b: {  	_ =	shalt  }
0x4c: {  	_ =	shalt  }
0x4d: {  	_ =	shalt  }
0x4e: {  	_ =	shalt  }
0x4f: {  	_ =	shalt  }
0x50: {  	_ =	shalt  }
0x51: {  	_ =	shalt  }
0x52: {  	_ =	shalt  }
0x53: {  	_ =	shalt  }
0x54: {  	_ =	shalt  }
0x55: {  	_ =	shalt  }
0x56: {  	_ =	shalt  }
0x57: {  	_ =	shalt  }
0x58: {  	_ =	shalt  }
0x59: {  	_ =	shalt  }
0x5a: {  	_ =	shalt  }
0x5b: {  	_ =	shalt  }
0x5c: {  	_ =	shalt  }
0x5d: {  	_ =	shalt  }
0x5e: {  	_ =	shalt  }
0x5f: {  	_ =	shalt  }
0x60: {  	_ =	shalt  }
0x61: {  	_ =	shalt  }
0x62: {  	_ =	shalt  }
0x63: {  	_ =	shalt  }
0x64: {  	_ =	shalt  }
0x65: {  	_ =	shalt  }
0x66: {  	_ =	shalt  }
0x67: {  	_ =	shalt  }
0x68: {  	_ =	shalt  }
0x69: {  	_ =	shalt  }
0x6a: {  	_ =	shalt  }
0x6b: {  	_ =	shalt  }
0x6c: {  	_ =	shalt  }
0x6d: {  	_ =	shalt  }
0x6e: {  	_ =	shalt  }
0x6f: {  	_ =	shalt  }
0x70: {  	_ =	shalt  }
0x71: {  	_ =	shalt  }
0x72: {  	_ =	shalt  }
0x73: {  	_ =	shalt  }
0x74: {  	_ =	shalt  }
0x75: {  	_ =	shalt  }
0x76: {  	_ =	shalt  }
0x77: {  	_ =	shalt  }
0x78: {  	_ =	shalt  }
0x79: {  	_ =	shalt  }
0x7a: {  	_ =	shalt  }
0x7b: {  	_ =	shalt  }
0x7c: {  	_ =	shalt  }
0x7d: {  	_ =	shalt  }
0x7e: {  	_ =	shalt  }
0x7f: {  	_ =	shalt  }
0x80: {  	_ =	shalt  }
0x81: {  	_ =	shalt  }
0x82: {  	_ =	shalt  }
0x83: {  	_ =	shalt  }
0x84: {  	_ =	shalt  }
0x85: {  	_ =	shalt  }
0x86: {  	_ =	shalt  }
0x87: {  	_ =	shalt  }
.Lfunc_end0:
.L_simem_size_0:
called_computation_lowered:
.L_overlay_start_0:
0x88: {  	s2 =	sld [smem:$0x3FD9]  }
0x89: {  	s3 =	sld [smem:$0x3FFE];
	_ =	sdelay $0x1  }
0x8a: {  	s1 =	srdreg.scid  }
0x8b: {  	s0 =	sand.u32 $0x1, s1  }
0x8c: {  	s17 =	sshll.u32 s0, $0xA;
	s2 =	sadd.s32 s3, s2  }
0x8d: {  	s2 =	sadd.s32 s2, s17  }
0x8e: {  	[smem:$0x3FC3] =	sst s2  }
0x8f: {  	_ = 	snop  }
0x90: {  	s2 =	sld [smem:$0x3FC8]  }
0x91: {  	s18 =	sld [smem:$0x3FC7]  }
0x92: {  	s4 =	sld [smem:$0x3FC6]  }
0x93: {  	s5 =	sld [smem:$0x3FC5]  }
0x94: {  	s6 =	sld [smem:$0x3FD0];
	(tm) =	ssettm $0x1  }
0x95: {  	s7 =	sld [smem:$0x3FFB];
	_ =	sdelay $0x3  }
0x96: {  	_ =	strace s7  }
0x97: {  	s7 =	sld [smem:$0x3FFC];
	_ =	sdelay $0x3  }
0x98: {  	_ =	strace s7  }
0x99: {  	s7 =	sld [smem:$0x3FFD];
	_ =	sdelay $0x3  }
0x9a: {  	_ =	strace s7  }
0x9b: {  	_ =	strace $0x8FFFFFFF  }
0x9c: {  	s19 =	sld [smem:$0x3FDB];
	_ =	sdelay $0x1  }
0x9d: {  	s8 =	simm.s32 $_scs_section_size  }
0x9e: {  	s9 =	simm.s32 $_size__tile_overlayer_lowered;
	s10 =	simm.s32 $_tile_overlayer_lowered  }
0x9f: {  	s22 =	simm.s32 $0x1BFF;
	s21 =	sshll.u32 s10, $0x1;
	s7 =	sadd.s32 s8, s19  }
0xa0: {  	s11 =	simm.s32 $0x0;
	s20 =	sshll.u32 s9, $0x1;
	s9 =	sadd.s32 s21, s7  }
0xa1: {  	[timem:s11], [sflag:s22] =	dma.local [hbm:s9], s20  }
0xa2: {  	_ =	swait.ge [sflag:s22], s20  }
0xa3: {  	s8 =	ssub.s32 $0x0, s20;
	[sflag:s22] =	ssyncset.done $0x0  }
0xa4: {  	[sflag:s22] =	ssyncadd.s32 s8;
	_ =	sdelay $0x1  }
0xa5: {  	s23 =	simm.s32 $0x1B8B  }
0xa6: {  	_ =	swait.ge [sflag:s23], $0x1  }
0xa7: {  	[sflag:s23] =	ssyncset.done $0x0  }
0xa8: {  	s25 =	simm.s32 $0x1B8E;
	s24 =	sld [smem:$0x3FFE];
	[sflag:s23] =	ssyncadd.s32 $0xFFFFFFFF  }
0xa9: {  	s26 =	simm.s32 $execute0_lowered;
	[smem:$0x3FD2] =	sst s25  }
0xaa: {  	s9 =	sshll.u32 s26, $0x1;
	_ =	strace $0x80000046;
	[dreg:$0x1] =	wrdreg $0xFFFFFFFF  }
0xab: {  	s28 =	simm.s32 $_size_execute0_lowered;
	s7 =	sadd.s32 s7, s9;
	[dreg:$0x0] =	wrdreg $0x0  }
0xac: {  	s9 =	sshll.u32 s28, $0x1;
	[dreg:$0x2] =	wrdreg s7  }
0xad: {  	[dreg:$0x3] =	wrdreg s9  }
0xae: {  	[dreg:$0x4] =	wrdreg $0xC0  }
0xaf: {  	_ =	task [dreg:s11], $0x5FFFF  }
0xb0: {  	[dreg:$0x1] =	wrdreg $0xFFFFFFFF  }
0xb1: {  	[dreg:$0x0] =	wrdreg $0x60  }
0xb2: {  	[dreg:$0x2] =	wrdreg s6  }
0xb3: {  	[dreg:$0x3] =	wrdreg s2  }
0xb4: {  	[dreg:$0x4] =	wrdreg s18  }
0xb5: {  	[dreg:$0x5] =	wrdreg s4  }
0xb6: {  	[dreg:$0x6] =	wrdreg s5  }
0xb7: {  	[dreg:$0x7] =	wrdreg s24  }
0xb8: {  	[dreg:$0x8] =	wrdreg $0x9  }
0xb9: {  	_ =	task.clear_ibuf [dreg:s11], $0x9FFFF;
	_ =	strace $0x90000046  }
0xba: {  	s29 =	simm.s32 $0x9;
	_ =	strace $0x80000048  }
0xbb: {  	_ =	swait.ge [sflag:s29], $0x1  }
0xbc: {  	[sflag:s29] =	ssyncadd.s32 $0xFFFFFFFF  }
0xbd: {  	_ =	strace $0x90000048  }
0xbe: {  	_ =	sfence  }
0xbf: {  	s30 =	sld [smem:$0x0];
	_ =	sdelay $0x2  }
0xc0: {  	s31 =	sshll.u32 s1, $0xD;
	s1 =	sshrl.u32 s1, $0x2  }
0xc1: {  	s3 =	sand.u32 $0x4000, s31;
	s1 =	sadd.s32 s1, s30  }
0xc2: {  	s0 =	sor.u32 s3, s0;
	s1 =	sshll.u32 s1, $0x11  }
0xc3: {  	s0 =	sor.u32 s1, s0  }
0xc4: {  	s0 =	sadd.s32 $0x8F2B, s0  }
0xc5: {  	[sflag:s0] =	ssyncadd.remote.s32 $0x1  }
0xc6: {  	_ =	sfence.sel $0xFFFF  }
0xc7: {  	[dreg:$0x0] =	wrdreg $0xFFFFFFFF;
	(pc) =	sbr.abs _section_cstart, $3  }
0xc8: {  	[dreg:$0x1] =	wrdreg $0xFFFFFFFF  }
0xc9: {  	_ =	task.clear_ibuf [dreg:s11], $0x2FFFF;
	_ =	strace $0x9FFFFFFF  }
0xca: {  	(tm) =	ssettm $0x7FFFFFFF  }
0xcb: {  	_ =	shalt  }
tec
execute0_lowered:
.L_overlay_start_1:
0x0: {  	(tag) =	ssettag $0x1  }
0x1: {  	s0 =	rddreg [dreg:$0x0]  }
0x2: {  	s1 =	rddreg [dreg:$0x1]  }
0x3: {  	v0 =	vimm.s32 $0xFEDCBA98;
	s2 =	rddreg [dreg:$0x2];
	v1 =	vimm.s32 $0x76543210  }
0x4: {  	s3 =	rddreg [dreg:$0x3];
	v2 =	vimm.s32 $0x3210FEDC;
	v3 =	vimm.s32 $0xBA987654;
	v4 =	vimm.s32 $0x10FEDCBA  }
0x5: {  	s4 =	rddreg [dreg:$0x4];
	v5 =	vimm.s32 $0x98765432;
	v6 =	vimm.s32 $0xFEDCBA9;
	v7 =	vimm.s32 $0x87654321  }
0x6: {  	s8 =	rddreg [dreg:$0x5];
	v0 =	vunpack.c.l.s4.s8 v0;
	v1 =	vunpack.c.l.s4.s8 v1;
	v2 =	vunpack.c.l.s4.s8 v2  }
0x7: {  	s5 =	rddreg [dreg:$0x6];
	s6 =	simm.s32 $0x0;
	v3 =	vunpack.c.l.s4.s8 v3;
	v4 =	vunpack.c.l.s4.s8 v4;
	v5 =	vunpack.c.l.s4.s8 v5  }
0x8: {  	s7 =	srdreg.scid;
	s13 =	simm.s32 $0x9880;
	s14 =	simm.s32 $0x9900;
	v6 =	vunpack.c.l.s4.s8 v6;
	v7 =	vunpack.c.l.s4.s8 v7;
	v0 =	vunpack.c.0.s8.s32 v0  }
0x9: {  	s15 =	simm.s32 $0x64;
	s16 =	simm.s32 $0x80;
	s17 =	simm.s32 $0x1;
	v2 =	vunpack.c.0.s8.s32 v2;
	v3 =	vunpack.c.0.s8.s32 v3;
	v4 =	vunpack.c.0.s8.s32 v4  }
0xa: {  	s18 =	simm.s32 $0x0;
	[smem:$0x7FF] =	sst s6;
	s9 =	sand.u32 $0x1, s7;
	v5 =	vunpack.c.0.s8.s32 v5;
	v6 =	vunpack.c.0.s8.s32 v6;
	v7 =	vunpack.c.0.s8.s32 v7  }
0xb: {  	s7 =	stileid.u32;
	s8 =	sadd.s32 $0x400, s8;
	s10 =	ssub.s32 $0x2, s9;
	v1 =	vunpack.c.0.s8.s32 v1;
	v2 =	vcombine.low v3, v2  }
0xc: {  	s9 =	sshll.u32 s9, $0xA;
	s12 =	sshll.u32 s7, $0x6;
	s11 =	sshrl.u32 s10, $0x1;
	v3 =	vcombine.low v5, v4;
	v4 =	vcombine.low v7, v6;
	v0 =	vand.u32 $0xF, v0  }
0xd: {  	_ =	strace $0x80000047;
	s9 =	sor.u32 s12, s9;
	s10 =	ssub.s32 s10, s11;
	v0 =	vcombine.low v0, v1  }
0xe: {  	s12 =	simm.s32 $0x2;
	s11 =	simm.s32 $0x3480;
	s10 =	smax.u32 s10, $0x1;
	v1 =	vand.u32 $0xF, v2;
	v2 =	vand.u32 $0xF, v3;
	v3 =	vand.u32 $0xF, v4  }
.LBB2_1:
0xf: {  	[tilespmem:s11], [sflag:$0x2] =	stream.linear.gather [hbm4b:s2+s6], $0x6400, $0x38;
	[tilespmem:$0x9980] =	vst v63  }
0x10: {  	_ =	swait.ge [sflag:s12], $0x6400  }
0x11: {  	[sflag:s12] =	ssyncset.done $0x0  }
0x12: {  	[sflag:s12] =	ssyncadd.s32 $0xFFFF9C00  }
0x13: {  	[tilespmem:s13], [sflag:$0x2] =	stream.linear.gather [hbm4b:s3+s6], $0x80, $0x38;
	[tilespmem:$0x9980] =	vst v63  }
0x14: {  	_ =	swait.ge [sflag:s12], $0x80  }
0x15: {  	[sflag:s12] =	ssyncset.done $0x0  }
0x16: {  	[sflag:s12] =	ssyncadd.s32 $0xFFFFFF80  }
0x17: {  	[tilespmem:s14], [sflag:$0x2] =	stream.linear.gather [hbm4b:s4+s6], $0x80, $0x38;
	[tilespmem:$0x9980] =	vst v63  }
0x18: {  	_ =	swait.ge [sflag:s12], $0x80  }
0x19: {  	[sflag:s12] =	ssyncset.done $0x0  }
0x1a: {  	s19 =	simm.s32 $0x0;
	[sflag:s12] =	ssyncadd.s32 $0xFFFFFF80  }
.LBB2_2:
0x1b: {  	s20 =	sadd.s32 s9, s19;
	s21 =	sshll.u32 s19, $0x4  }
0x1c: {  	s22 =	sshll.u32 s20, $0x4;
	s21 =	sand.u32 $0x70, s21  }
0x1d: {  	s22 =	sand.u32 $0x7F80, s22;
	s21 =	sadd.s32 s0, s21  }
0x1e: {  	s30 =	simm.s32 $0x0;
	s21 =	sadd.s32 s22, s21  }
0x1f: {  	[tilespmem:s30], [sflag:$0x2] =	stream.linear.gather [hbm4b:s21+s30], $0x80, $0x38;
	[tilespmem:$0x9980] =	vst v63  }
0x20: {  	s31 =	sand.u32 $0x1, s19;
	_ =	swait.ge [sflag:s12], $0x80  }
0x21: {  	p0 =	seq.s32 s31, $0x1;
	s21 =	simm.s32 $0x66C0;
	[sflag:s12] =	ssyncset.done $0x0  }
0x22: {  	s21 =	simm.s32 @!p0 $0x34C0;
	[sflag:s12] =	ssyncadd.s32 $0xFFFFFF80  }
0x23: {  	[tilespmem:s16], [sflag:$0x1] =	stream.indirect.gather [hbm4b:s1+s15], $0x80, s30, s15, $0xb8;
	[tilespmem:$0x9980] =	vst v63  }
0x24: {  	v4 =	vmov s21;
	_ =	swait.ge [sflag:s17], $0x3200  }
0x25: {  	[sflag:s17] =	ssyncset.done $0x0  }
0x26: {  	s21 =	simm.s32 $0x0;
	[sflag:s17] =	ssyncadd.s32 $0xFFFFCE00  }
0x27: {  	v5 =	vld [tilespmem:s21+$0x90]  }
0x28: {  	v6 =	vld [tilespmem:s21+$0x80]  }
0x29: {  	v7 =	vld.idx.msk [tilespmem:v4+s21+$0xFFFFFFC0 ss:$0x1], $0xffff  }
0x2a: {  	v8 =	vld.idx.msk [tilespmem:v4+s21+$0xFFFFFFD0 ss:$0x1], $0xffff  }
0x2b: {  	v9 =	vld.idx.msk [tilespmem:v4+s21+$0xFFFFFFE0 ss:$0x1], $0xffff  }
0x2c: {  	v10 =	vld [tilespmem:s21+$0xA0]  }
0x2d: {  	v11 =	vld.idx.msk [tilespmem:v4+s21+$0xFFFFFFF0 ss:$0x1], $0xffff  }
0x2e: {  	v12 =	vld [tilespmem:s21+$0xB0]  }
0x2f: {  	v6 =	vadd.f32 v7, v6;
	v7 =	vld.idx.msk [tilespmem:v4+s21+$0x0 ss:$0x1], $0xffff;
	v5 =	vadd.f32 v8, v5  }
0x30: {  	v8 =	vld [tilespmem:s21+$0xC0]  }
0x31: {  	v46 =	vld.idx.msk [tilespmem:v4+s21+$0x10 ss:$0x1], $0xffff;
	v9 =	vadd.f32 v9, v10;
	v13 =	vadd.f32 v5, v6  }
0x32: {  	v14 =	vld [tilespmem:s21+$0xD0]  }
0x33: {  	v47 =	vld.idx.msk [tilespmem:v4+s21+$0x20 ss:$0x1], $0xffff;
	v11 =	vadd.f32 v11, v12;
	v13 =	vadd.f32 v9, v13  }
0x34: {  	v15 =	vld [tilespmem:s21+$0xE0]  }
0x35: {  	v16 =	vld [tilespmem:s21+$0xF0];
	v7 =	vadd.f32 v7, v8;
	v13 =	vadd.f32 v11, v13  }
0x36: {  	v8 =	vld.idx.msk [tilespmem:v4+s21+$0x30 ss:$0x1], $0xffff  }
0x37: {  	v10 =	vadd.f32 v46, v14;
	v13 =	vadd.f32 v7, v13;
	_ =	sdelay $0x1  }
0x38: {  	v12 =	vadd.f32 v47, v15;
	v13 =	vadd.f32 v10, v13;
	_ =	sdelay $0x1  }
0x39: {  	v8 =	vadd.f32 v8, v16;
	v13 =	vadd.f32 v12, v13;
	_ =	sdelay $0x1  }
0x3a: {  	v13 =	vadd.f32 v8, v13;
	_ =	sdelay $0x1  }
0x3b: {  	v48 =	vperm.xlane v13, v0;
	_ =	sdelay $0x1  }
0x3c: {  	v13 =	vadd.f32 v13, v48;
	_ =	sdelay $0x1  }
0x3d: {  	v14 =	vperm.xlane v13, v1;
	_ =	sdelay $0x1  }
0x3e: {  	v13 =	vadd.f32 v13, v14;
	_ =	sdelay $0x1  }
0x3f: {  	v14 =	vperm.xlane v13, v2;
	_ =	sdelay $0x1  }
0x40: {  	v13 =	vadd.f32 v13, v14;
	_ =	sdelay $0x1  }
0x41: {  	v14 =	vperm.xlane v13, v3;
	_ =	sdelay $0x1  }
0x42: {  	v13 =	vadd.f32 v13, v14;
	_ =	sdelay $0x1  }
0x43: {  	v13 =	vmul.f32 $7.812500000e-03, v13;
	_ =	sdelay $0x1  }
0x44: {  	v6 =	vsub.f32 v6, v13;
	v5 =	vsub.f32 v5, v13;
	_ =	sdelay $0x1  }
0x45: {  	v9 =	vsub.f32 v9, v13;
	v49 =	vmul.f32 v6, v6;
	v50 =	vmul.f32 v5, v5;
	_ =	sdelay $0x1  }
0x46: {  	v11 =	vsub.f32 v11, v13;
	v51 =	vmul.f32 v9, v9;
	v14 =	vadd.f32 v50, v49;
	_ =	sdelay $0x1  }
0x47: {  	v7 =	vsub.f32 v7, v13;
	v52 =	vmul.f32 v11, v11;
	v14 =	vadd.f32 v14, v51;
	_ =	sdelay $0x1  }
0x48: {  	v10 =	vsub.f32 v10, v13;
	v53 =	vmul.f32 v7, v7;
	v14 =	vadd.f32 v14, v52;
	_ =	sdelay $0x1  }
0x49: {  	v12 =	vsub.f32 v12, v13;
	v54 =	vmul.f32 v10, v10;
	v14 =	vadd.f32 v14, v53;
	_ =	sdelay $0x1  }
0x4a: {  	v8 =	vsub.f32 v8, v13;
	v55 =	vmul.f32 v12, v12;
	v14 =	vadd.f32 v14, v54;
	_ =	sdelay $0x1  }
0x4b: {  	v56 =	vmul.f32 v8, v8;
	v13 =	vadd.f32 v14, v55;
	_ =	sdelay $0x1  }
0x4c: {  	v13 =	vadd.f32 v13, v56;
	_ =	sdelay $0x1  }
0x4d: {  	v57 =	vperm.xlane v13, v0;
	_ =	sdelay $0x1  }
0x4e: {  	v13 =	vadd.f32 v13, v57;
	_ =	sdelay $0x1  }
0x4f: {  	v14 =	vperm.xlane v13, v1;
	_ =	sdelay $0x1  }
0x50: {  	v13 =	vadd.f32 v13, v14;
	_ =	sdelay $0x1  }
0x51: {  	v14 =	vperm.xlane v13, v2;
	_ =	sdelay $0x1  }
0x52: {  	v13 =	vadd.f32 v13, v14;
	_ =	sdelay $0x1  }
0x53: {  	v14 =	vperm.xlane v13, v3;
	_ =	sdelay $0x1  }
0x54: {  	v13 =	vadd.f32 v13, v14;
	_ =	sdelay $0x1  }
0x55: {  	v13 =	vmul.f32 $7.812500000e-03, v13;
	_ =	sdelay $0x1  }
0x56: {  	v13 =	vadd.f32 $9.999999960e-13, v13;
	_ =	sdelay $0x1  }
0x57: {  	v58 =	vshrl.u32 v13, $0x1;
	v13 =	vmul.f32 $5.000000000e-01, v13  }
0x58: {  	v14 =	vsub.s32 $0x5F3759DF, v58  }
0x59: {  	v59 =	vmul.f32 v14, v13;
	_ =	sdelay $0x1  }
0x5a: {  	v15 =	vmul.f32 v14, v59;
	_ =	sdelay $0x1  }
0x5b: {  	v15 =	vsub.f32 $1.500000000e+00, v15;
	_ =	sdelay $0x1  }
0x5c: {  	v14 =	vmul.f32 v14, v15;
	_ =	sdelay $0x1  }
0x5d: {  	v15 =	vmul.f32 v14, v13;
	_ =	sdelay $0x1  }
0x5e: {  	v15 =	vmul.f32 v15, v14;
	_ =	sdelay $0x1  }
0x5f: {  	v15 =	vsub.f32 $1.500000000e+00, v15;
	_ =	sdelay $0x1  }
0x60: {  	v14 =	vmul.f32 v15, v14;
	_ =	sdelay $0x1  }
0x61: {  	v13 =	vmul.f32 v14, v13;
	_ =	sdelay $0x1  }
0x62: {  	v13 =	vmul.f32 v13, v14;
	_ =	sdelay $0x1  }
0x63: {  	v13 =	vsub.f32 $1.500000000e+00, v13  }
0x64: {  	v60 =	vld [tilespmem:$0x9880]  }
0x65: {  	v13 =	vmul.f32 v13, v14  }
0x66: {  	v61 =	vld [tilespmem:$0x9900]  }
0x67: {  	v6 =	vmul.f32 v13, v6;
	_ =	sdelay $0x1  }
0x68: {  	v6 =	vmul.f32 v6, v60;
	_ =	sdelay $0x1  }
0x69: {  	v6 =	vadd.f32 v6, v61;
	_ =	sdelay $0x1  }
0x6a: {  	[tilespmem:s21+$0x80] =	vst v6  }
0x6b: {  	v6 =	vld [tilespmem:$0x9890];
	_ =	sdelay $0x1  }
0x6c: {  	v62 =	vld [tilespmem:$0x9910]  }
0x6d: {  	v5 =	vmul.f32 v13, v5;
	_ =	sdelay $0x1  }
0x6e: {  	v5 =	vmul.f32 v5, v6;
	_ =	sdelay $0x1  }
0x6f: {  	v5 =	vadd.f32 v5, v62;
	_ =	sdelay $0x1  }
0x70: {  	[tilespmem:s21+$0x90] =	vst v5  }
0x71: {  	v5 =	vld [tilespmem:$0x98A0];
	_ =	sdelay $0x1  }
0x72: {  	v6 =	vld [tilespmem:$0x9920]  }
0x73: {  	v9 =	vmul.f32 v13, v9;
	_ =	sdelay $0x1  }
0x74: {  	v5 =	vmul.f32 v9, v5;
	_ =	sdelay $0x1  }
0x75: {  	v5 =	vadd.f32 v5, v6;
	_ =	sdelay $0x1  }
0x76: {  	[tilespmem:s21+$0xA0] =	vst v5  }
0x77: {  	v5 =	vld [tilespmem:$0x98B0];
	_ =	sdelay $0x1  }
0x78: {  	v6 =	vld [tilespmem:$0x9930]  }
0x79: {  	v63 =	vmul.f32 v13, v11;
	_ =	sdelay $0x1  }
0x7a: {  	v5 =	vmul.f32 v63, v5;
	_ =	sdelay $0x1  }
0x7b: {  	v5 =	vadd.f32 v5, v6;
	_ =	sdelay $0x1  }
0x7c: {  	[tilespmem:s21+$0xB0] =	vst v5  }
0x7d: {  	v5 =	vld [tilespmem:$0x98C0];
	_ =	sdelay $0x1  }
0x7e: {  	v6 =	vld [tilespmem:$0x9940]  }
0x7f: {  	v7 =	vmul.f32 v13, v7;
	_ =	sdelay $0x1  }
0x80: {  	v5 =	vmul.f32 v7, v5;
	_ =	sdelay $0x1  }
0x81: {  	v5 =	vadd.f32 v5, v6;
	_ =	sdelay $0x1  }
0x82: {  	[tilespmem:s21+$0xC0] =	vst v5  }
0x83: {  	v5 =	vld [tilespmem:$0x98D0];
	_ =	sdelay $0x1  }
0x84: {  	v6 =	vld [tilespmem:$0x9950]  }
0x85: {  	v7 =	vmul.f32 v13, v10;
	_ =	sdelay $0x1  }
0x86: {  	v5 =	vmul.f32 v7, v5;
	_ =	sdelay $0x1  }
0x87: {  	v5 =	vadd.f32 v5, v6;
	_ =	sdelay $0x1  }
0x88: {  	[tilespmem:s21+$0xD0] =	vst v5  }
0x89: {  	v5 =	vld [tilespmem:$0x98E0];
	_ =	sdelay $0x1  }
0x8a: {  	v6 =	vld [tilespmem:$0x9960]  }
0x8b: {  	v7 =	vmul.f32 v13, v12;
	_ =	sdelay $0x1  }
0x8c: {  	v5 =	vmul.f32 v7, v5;
	_ =	sdelay $0x1  }
0x8d: {  	v5 =	vadd.f32 v5, v6;
	_ =	sdelay $0x1  }
0x8e: {  	[tilespmem:s21+$0xE0] =	vst v5  }
0x8f: {  	v6 =	vld [tilespmem:$0x98F0];
	_ =	sdelay $0x1  }
0x90: {  	v5 =	vld [tilespmem:$0x9970]  }
0x91: {  	v7 =	vmul.f32 v13, v8;
	_ =	sdelay $0x1  }
0x92: {  	s22 =	simm.s32 $0x200;
	v6 =	vmul.f32 v7, v6  }
.LBB2_3:
0x93: {  	p0 =	sne.s32 s22, $0xC600;
	s23 =	smov.u32 s22;
	s22 =	sadd.s32 $0x200, s22  }
0x94: {  	s23 =	sshra.s32 s23, $0x2;
	v5 =	vadd.f32 v6, v5  }
0x95: {  	v6 =	vld [tilespmem:s23+$0x90]  }
0x96: {  	v7 =	vld [tilespmem:s23+$0x80];
	[tilespmem:s21+$0xF0] =	vst v5;
	s21 =	smov.u32 s23  }
0x97: {  	v5 =	vld.idx.msk [tilespmem:v4+s21+$0xFFFFFFC0 ss:$0x1], $0xffff  }
0x98: {  	v8 =	vld.idx.msk [tilespmem:v4+s21+$0xFFFFFFD0 ss:$0x1], $0xffff  }
0x99: {  	v9 =	vld.idx.msk [tilespmem:v4+s21+$0xFFFFFFE0 ss:$0x1], $0xffff  }
0x9a: {  	v10 =	vld [tilespmem:s21+$0xA0]  }
0x9b: {  	v11 =	vld.idx.msk [tilespmem:v4+s21+$0xFFFFFFF0 ss:$0x1], $0xffff  }
0x9c: {  	v12 =	vld [tilespmem:s21+$0xB0]  }
0x9d: {  	v5 =	vadd.f32 v5, v7;
	v7 =	vld.idx.msk [tilespmem:v4+s21+$0x0 ss:$0x1], $0xffff  }
0x9e: {  	v6 =	vadd.f32 v8, v6;
	v8 =	vld [tilespmem:s21+$0xC0]  }
0x9f: {  	v9 =	vadd.f32 v9, v10;
	v10 =	vld.idx.msk [tilespmem:v4+s21+$0x10 ss:$0x1], $0xffff  }
0xa0: {  	v14 =	vadd.f32 v6, v5;
	v13 =	vld [tilespmem:s21+$0xD0]  }
0xa1: {  	v11 =	vadd.f32 v11, v12;
	v12 =	vld.idx.msk [tilespmem:v4+s21+$0x20 ss:$0x1], $0xffff  }
0xa2: {  	v14 =	vadd.f32 v9, v14;
	v15 =	vld [tilespmem:s21+$0xE0]  }
0xa3: {  	v7 =	vadd.f32 v7, v8;
	v8 =	vld.idx.msk [tilespmem:v4+s21+$0x30 ss:$0x1], $0xffff  }
0xa4: {  	v14 =	vadd.f32 v11, v14;
	v16 =	vld [tilespmem:s21+$0xF0]  }
0xa5: {  	v10 =	vadd.f32 v10, v13  }
0xa6: {  	v13 =	vadd.f32 v7, v14  }
0xa7: {  	v12 =	vadd.f32 v12, v15  }
0xa8: {  	v13 =	vadd.f32 v10, v13  }
0xa9: {  	v8 =	vadd.f32 v8, v16  }
0xaa: {  	v13 =	vadd.f32 v12, v13;
	_ =	sdelay $0x1  }
0xab: {  	v13 =	vadd.f32 v8, v13;
	_ =	sdelay $0x1  }
0xac: {  	v14 =	vperm.xlane v13, v0;
	_ =	sdelay $0x1  }
0xad: {  	v13 =	vadd.f32 v13, v14;
	_ =	sdelay $0x1  }
0xae: {  	v14 =	vperm.xlane v13, v1;
	_ =	sdelay $0x1  }
0xaf: {  	v13 =	vadd.f32 v13, v14;
	_ =	sdelay $0x1  }
0xb0: {  	v14 =	vperm.xlane v13, v2;
	_ =	sdelay $0x1  }
0xb1: {  	v13 =	vadd.f32 v13, v14;
	_ =	sdelay $0x1  }
0xb2: {  	v14 =	vperm.xlane v13, v3;
	_ =	sdelay $0x1  }
0xb3: {  	v13 =	vadd.f32 v13, v14;
	_ =	sdelay $0x1  }
0xb4: {  	v13 =	vmul.f32 $7.812500000e-03, v13;
	_ =	sdelay $0x1  }
0xb5: {  	v5 =	vsub.f32 v5, v13;
	v6 =	vsub.f32 v6, v13  }
0xb6: {  	v9 =	vsub.f32 v9, v13;
	v11 =	vsub.f32 v11, v13  }
0xb7: {  	v7 =	vsub.f32 v7, v13;
	v14 =	vmul.f32 v5, v5;
	v15 =	vmul.f32 v6, v6  }
0xb8: {  	v10 =	vsub.f32 v10, v13;
	v12 =	vsub.f32 v12, v13;
	v16 =	vmul.f32 v9, v9  }
0xb9: {  	v8 =	vsub.f32 v8, v13;
	v13 =	vadd.f32 v15, v14  }
0xba: {  	v14 =	vmul.f32 v11, v11  }
0xbb: {  	v13 =	vadd.f32 v13, v16  }
0xbc: {  	v15 =	vmul.f32 v7, v7  }
0xbd: {  	v13 =	vadd.f32 v13, v14  }
0xbe: {  	v14 =	vmul.f32 v10, v10  }
0xbf: {  	v13 =	vadd.f32 v13, v15  }
0xc0: {  	v15 =	vmul.f32 v12, v12  }
0xc1: {  	v13 =	vadd.f32 v13, v14  }
0xc2: {  	v14 =	vmul.f32 v8, v8  }
0xc3: {  	v13 =	vadd.f32 v13, v15;
	_ =	sdelay $0x1  }
0xc4: {  	v13 =	vadd.f32 v13, v14;
	_ =	sdelay $0x1  }
0xc5: {  	v14 =	vperm.xlane v13, v0;
	_ =	sdelay $0x1  }
0xc6: {  	v13 =	vadd.f32 v13, v14;
	_ =	sdelay $0x1  }
0xc7: {  	v14 =	vperm.xlane v13, v1;
	_ =	sdelay $0x1  }
0xc8: {  	v13 =	vadd.f32 v13, v14;
	_ =	sdelay $0x1  }
0xc9: {  	v14 =	vperm.xlane v13, v2;
	_ =	sdelay $0x1  }
0xca: {  	v13 =	vadd.f32 v13, v14;
	_ =	sdelay $0x1  }
0xcb: {  	v14 =	vperm.xlane v13, v3;
	_ =	sdelay $0x1  }
0xcc: {  	v13 =	vadd.f32 v13, v14;
	_ =	sdelay $0x1  }
0xcd: {  	v13 =	vmul.f32 $7.812500000e-03, v13;
	_ =	sdelay $0x1  }
0xce: {  	v13 =	vadd.f32 $9.999999960e-13, v13;
	_ =	sdelay $0x1  }
0xcf: {  	v14 =	vshrl.u32 v13, $0x1;
	v13 =	vmul.f32 $5.000000000e-01, v13  }
0xd0: {  	v14 =	vsub.s32 $0x5F3759DF, v14  }
0xd1: {  	v15 =	vmul.f32 v14, v13;
	_ =	sdelay $0x1  }
0xd2: {  	v15 =	vmul.f32 v14, v15;
	_ =	sdelay $0x1  }
0xd3: {  	v15 =	vsub.f32 $1.500000000e+00, v15;
	_ =	sdelay $0x1  }
0xd4: {  	v14 =	vmul.f32 v14, v15;
	_ =	sdelay $0x1  }
0xd5: {  	v15 =	vmul.f32 v14, v13;
	_ =	sdelay $0x1  }
0xd6: {  	v15 =	vmul.f32 v15, v14;
	_ =	sdelay $0x1  }
0xd7: {  	v15 =	vsub.f32 $1.500000000e+00, v15;
	_ =	sdelay $0x1  }
0xd8: {  	v14 =	vmul.f32 v15, v14;
	_ =	sdelay $0x1  }
0xd9: {  	v13 =	vmul.f32 v14, v13;
	_ =	sdelay $0x1  }
0xda: {  	v13 =	vmul.f32 v13, v14;
	_ =	sdelay $0x1  }
0xdb: {  	v13 =	vsub.f32 $1.500000000e+00, v13;
	v15 =	vld [tilespmem:$0x9880];
	_ =	sdelay $0x1  }
0xdc: {  	v13 =	vmul.f32 v13, v14;
	v14 =	vld [tilespmem:$0x9900];
	_ =	sdelay $0x1  }
0xdd: {  	v5 =	vmul.f32 v13, v5;
	v6 =	vmul.f32 v13, v6  }
0xde: {  	v9 =	vmul.f32 v13, v9;
	v11 =	vmul.f32 v13, v11  }
0xdf: {  	v7 =	vmul.f32 v13, v7;
	v5 =	vmul.f32 v5, v15  }
0xe0: {  	v10 =	vmul.f32 v13, v10;
	v12 =	vmul.f32 v13, v12  }
0xe1: {  	v8 =	vmul.f32 v13, v8;
	v5 =	vadd.f32 v5, v14;
	_ =	sdelay $0x1  }
0xe2: {  	[tilespmem:s21+$0x80] =	vst v5  }
0xe3: {  	v5 =	vld [tilespmem:$0x9890]  }
0xe4: {  	v13 =	vld [tilespmem:$0x9910];
	_ =	sdelay $0x3  }
0xe5: {  	v5 =	vmul.f32 v6, v5;
	_ =	sdelay $0x1  }
0xe6: {  	v5 =	vadd.f32 v5, v13;
	_ =	sdelay $0x1  }
0xe7: {  	[tilespmem:s21+$0x90] =	vst v5  }
0xe8: {  	v5 =	vld [tilespmem:$0x98A0]  }
0xe9: {  	v6 =	vld [tilespmem:$0x9920];
	_ =	sdelay $0x3  }
0xea: {  	v5 =	vmul.f32 v9, v5;
	_ =	sdelay $0x1  }
0xeb: {  	v5 =	vadd.f32 v5, v6;
	_ =	sdelay $0x1  }
0xec: {  	[tilespmem:s21+$0xA0] =	vst v5  }
0xed: {  	v5 =	vld [tilespmem:$0x98B0]  }
0xee: {  	v6 =	vld [tilespmem:$0x9930];
	_ =	sdelay $0x3  }
0xef: {  	v5 =	vmul.f32 v11, v5;
	_ =	sdelay $0x1  }
0xf0: {  	v5 =	vadd.f32 v5, v6;
	_ =	sdelay $0x1  }
0xf1: {  	[tilespmem:s21+$0xB0] =	vst v5  }
0xf2: {  	v5 =	vld [tilespmem:$0x98C0]  }
0xf3: {  	v6 =	vld [tilespmem:$0x9940];
	_ =	sdelay $0x3  }
0xf4: {  	v5 =	vmul.f32 v7, v5;
	_ =	sdelay $0x1  }
0xf5: {  	v5 =	vadd.f32 v5, v6;
	_ =	sdelay $0x1  }
0xf6: {  	[tilespmem:s21+$0xC0] =	vst v5  }
0xf7: {  	v5 =	vld [tilespmem:$0x98D0]  }
0xf8: {  	v6 =	vld [tilespmem:$0x9950];
	_ =	sdelay $0x3  }
0xf9: {  	v5 =	vmul.f32 v10, v5;
	_ =	sdelay $0x1  }
0xfa: {  	v5 =	vadd.f32 v5, v6;
	_ =	sdelay $0x1  }
0xfb: {  	[tilespmem:s21+$0xD0] =	vst v5  }
0xfc: {  	v5 =	vld [tilespmem:$0x98E0]  }
0xfd: {  	v6 =	vld [tilespmem:$0x9960];
	_ =	sdelay $0x3  }
0xfe: {  	v5 =	vmul.f32 v12, v5;
	_ =	sdelay $0x1  }
0xff: {  	v5 =	vadd.f32 v5, v6;
	_ =	sdelay $0x1  }
0x100: {  	[tilespmem:s21+$0xE0] =	vst v5  }
0x101: {  	v6 =	vld [tilespmem:$0x98F0]  }
.Ltmp0:
0x102: {  	v5 =	vld [tilespmem:$0x9970];
	(pc) =	sbr.rel @p0 .LBB2_3-.Ltmp0, $2  }
0x103: {  	_ =	sdelay $0x2  }
0x104: {  	v6 =	vmul.f32 v8, v6  }
0x105: {  	_ = 	snop  }
0x106: {  	s20 =	smul.u32 $0x680, s20;
	s19 =	sadd.s32 $0x1, s19;
	v4 =	vadd.f32 v6, v5  }
0x107: {  	p0 =	sne.s32 s19, $0x40  }
.Ltmp1:
0x108: {  	s20 =	sadd.s32 s8, s20;
	[tilespmem:s21+$0xF0] =	vst v4;
	(pc) =	sbr.rel @p0 .LBB2_2-.Ltmp1, $4  }
0x109: {  	[hbm4b:s20+s6] =	stream.linear.scatter [tilespmem:s16], [sflag:$0x2], $0x3200, $0x38;
	[tilespmem:$0x9980] =	vst v63  }
0x10a: {  	_ =	swait.ge [sflag:s12], $0x3200  }
0x10b: {  	[sflag:s12] =	ssyncset.done $0x0  }
0x10c: {  	[sflag:s12] =	ssyncadd.s32 $0xFFFFCE00  }
0x10d: {  	s18 =	sadd.s32 $0x1, s18  }
0x10e: {  	p0 =	sne.s32 s18, s10  }
.Ltmp2:
0x10f: {  	_ = 	snop;
	(pc) =	sbr.rel @p0 .LBB2_1-.Ltmp2, $1  }
0x110: {  	_ =	sdelay $0x3  }
0x111: {  	_ =	sfence.sel $0x180000  }
0x112: {  	[bflag:$0x0] =	sbarrier.arrive $0xFFFF  }
0x113: {  	p0 =	sne.s32 s7, $0x0;
	_ =	strace $0x90000047  }
0x114: {  	s0 =	sadd.s32 @!p0 $0x100000, s5;
	[bflag:$0x2] =	sbarrier.arrive $0xFFFF  }
0x115: {  	[sflag:s0] =	ssyncadd.tile.s32 @!p0 $0x1;
	_ =	shalt  }
.Lfunc_end2:
_tile_overlayer_lowered:
.L_overlay_start_2:
0x116: {  	(tag) =	ssettag $0x2  }
0x117: {  	s0 =	rddreg [dreg:$0x0];
	s2 =	stileid.u32  }
0x118: {  	s1 =	rddreg [dreg:$0x1];
	p0 =	sne.s32 s2, $0x0  }
0x119: {  	s3 =	rddreg [dreg:$0x2];
	[bflag:$0x3] =	sbarrier.arrive $0xFFFF;
	s2 =	simm.s32 @!p0 $0x1C02  }
0x11a: {  	[timem:s3], [sflag:s2] =	dma.local @!p0 [hbm:s0], s1  }
0x11b: {  	s0 =	simm.s32 @!p0 $0x2  }
0x11c: {  	_ =	swait.ge @!p0 [sflag:s0], s1  }
0x11d: {  	s1 =	ssub.s32 @!p0 $0x0, s1;
	[sflag:s0] =	ssyncset.done @!p0 $0x0  }
0x11e: {  	[sflag:s0] =	ssyncadd.s32 @!p0 s1  }
0x11f: {  	[bflag:$0x3] =	sbarrier.arrive $0xFFFF  }
0x120: {  	_ =	shalt  }

</sc_bundles>
